<compile_context>
chip_gen: v7x
topology: tpu7x:2x2x1
jax: 0.10.2.dev20260603
libtpu: 0.0.44.dev20260713+nightly
codegen_flags: <defaults>
</compile_context>

<pallas_src>
import functools

import jax
import jax.numpy as jnp
from jax import lax
from jax.experimental import pallas as pl
from jax.experimental.pallas import tpu as pltpu
from jax.experimental.pallas import tpu_sc as plsc

NC = 2
NS = 16
NW = NC * NS


def _deg_body(n, ch, k, dst_hbm, z_hbm, deg_hbm, idx_v, hist_v, iota_v,
              hist_sh):
    nr = n // 128
    c = lax.axis_index("c")
    s = lax.axis_index("s")
    wid = c * NS + s
    pltpu.sync_copy(dst_hbm.at[wid], idx_v)

    def zb(j, carry):
        for i in range(8):
            hist_v[j, pl.ds(16 * i, 16)] = jnp.zeros((16,), jnp.float32)
        return carry

    lax.fori_loop(0, nr, zb, 0)
    for i in range(nr // 16):
        iota_v[0, pl.ds(16 * i, 16)] = lax.iota(jnp.int32, 16) + 16 * i

    @pl.when(s == 0)
    def _():
        pltpu.sync_copy(z_hbm, hist_sh)

    ones = jnp.ones((16,), jnp.float32)

    def body(j, carry):
        for i in range(k // 16):
            idx = idx_v[j, pl.ds(16 * i, 16)]
            row = lax.shift_right_logical(idx, 7)
            col = lax.bitwise_and(idx, 127)
            plsc.addupdate_scatter(hist_v, [row, col], ones)
        return carry

    lax.fori_loop(0, ch, body, 0)
    plsc.subcore_barrier()
    pltpu.sync_copy(hist_v, hist_sh.at[iota_v.at[0]], add=True)
    plsc.subcore_barrier()
    nd = n // 1024

    @pl.when(s < nd)
    def _():
        pltpu.sync_copy(hist_sh.at[pl.ds(s * 8, 8)],
                        deg_hbm.at[c, pl.ds(s * 8, 8)])


def _make_deg(n, ch, k):
    mesh = plsc.VectorSubcoreMesh(core_axis_name="c", subcore_axis_name="s")
    nr = n // 128
    return pl.kernel(
        functools.partial(_deg_body, n, ch, k),
        out_type=jax.ShapeDtypeStruct((NC, nr, 128), jnp.float32),
        mesh=mesh,
        scratch_types=[
            pltpu.VMEM((ch, k), jnp.int32),
            pltpu.VMEM((nr, 128), jnp.float32),
            pltpu.VMEM((1, nr), jnp.int32),
            pltpu.VMEM_SHARED((nr, 128), jnp.float32),
        ],
        compiler_params=pltpu.CompilerParams(needs_layout_passes=False),
    )


def _scat_body(n, h, nb, cb, k, src_hbm, dst_hbm, hp_hbm, acc_hbm,
               isrc_v, idst_v, rows0_v, rows1_v, acc_sh, sem0, sem1):
    rp = n // NS
    c = lax.axis_index("c")
    s = lax.axis_index("s")
    wid = c * NS + s

    def zb(j, carry):
        for i in range(h // 16):
            rows0_v[j, pl.ds(16 * i, 16)] = jnp.zeros((16,), jnp.float32)
        return carry

    lax.fori_loop(0, k, zb, 0)
    for j in range(rp // k):
        pltpu.sync_copy(rows0_v, acc_sh.at[pl.ds(s * rp + j * k, k)])
    plsc.subcore_barrier()

    for blk in range(nb):
        pltpu.sync_copy(src_hbm.at[wid, blk], isrc_v)
        pltpu.sync_copy(dst_hbm.at[wid, blk], idst_v)
        pltpu.async_copy(hp_hbm.at[isrc_v.at[0]], rows0_v, sem0)

        def body(jj, carry):
            j0 = 2 * jj
            j1 = j0 + 1
            j2 = j0 + 2
            pltpu.async_copy(hp_hbm.at[isrc_v.at[j1]], rows1_v, sem1)
            pltpu.make_async_copy(hp_hbm.at[isrc_v.at[j0]], rows0_v,
                                  sem0).wait()
            pltpu.sync_copy(rows0_v, acc_sh.at[idst_v.at[j0]], add=True)

            @pl.when(j2 < cb)
            def _():
                pltpu.async_copy(hp_hbm.at[isrc_v.at[j2]], rows0_v, sem0)

            pltpu.make_async_copy(hp_hbm.at[isrc_v.at[j1]], rows1_v,
                                  sem1).wait()
            pltpu.sync_copy(rows1_v, acc_sh.at[idst_v.at[j1]], add=True)
            return carry

        lax.fori_loop(0, cb // 2, body, 0)

    plsc.subcore_barrier()
    pltpu.sync_copy(acc_sh.at[pl.ds(s * rp, rp)],
                    acc_hbm.at[c, pl.ds(s * rp, rp)])


def _make_scat(n, h, nb, cb, k):
    mesh = plsc.VectorSubcoreMesh(core_axis_name="c", subcore_axis_name="s")
    return pl.kernel(
        functools.partial(_scat_body, n, h, nb, cb, k),
        out_type=jax.ShapeDtypeStruct((NC, n, h), jnp.float32),
        mesh=mesh,
        scratch_types=[
            pltpu.VMEM((cb, k), jnp.int32),
            pltpu.VMEM((cb, k), jnp.int32),
            pltpu.VMEM((k, h), jnp.float32),
            pltpu.VMEM((k, h), jnp.float32),
            pltpu.VMEM_SHARED((n, h), jnp.float32),
            pltpu.SemaphoreType.DMA,
            pltpu.SemaphoreType.DMA,
        ],
    )


def _dinv3(deg_ref):
    deg = deg_ref[0] + deg_ref[1] + 1.0
    return lax.rsqrt(deg)[:, :, None]


def _hp_body(deg_ref, x_ref, w_ref, hp_ref):
    br = x_ref.shape[0]
    xw = jnp.dot(x_ref[...], w_ref[...], preferred_element_type=jnp.float32,
                 precision=lax.Precision.HIGHEST)
    xw3 = xw.reshape(br // 128, 128, 128)
    hp_ref[...] = (_dinv3(deg_ref) * xw3).reshape(br, 128)


def _fin_body(nblk, nvalid, deg_ref, acc_ref, hp_ref, wp_ref, cond_ref, wgam_ref,
              bgam_ref, wbet_ref, bbet_ref, bgcn_ref, bproj_ref, wout_ref,
              bout_ref, out_ref, m_acc):
    i = pl.program_id(0)

    @pl.when(i == 0)
    def _():
        m_acc[...] = jnp.zeros_like(m_acc)

    br = hp_ref.shape[0]
    t = acc_ref[0] + acc_ref[1] + hp_ref[...]
    g3 = _dinv3(deg_ref) * t.reshape(br // 128, 128, 128)
    g = g3.reshape(br, 128) + bgcn_ref[...]
    r = jnp.maximum(g, 0.0)
    rows = lax.broadcasted_iota(jnp.int32, (br, 1), 0) + i * br
    valid = rows < nvalid
    r = jnp.where(valid, r, 0.0)
    wp = jnp.where(valid, wp_ref[...], 0.0)
    m_acc[...] += lax.dot_general(
        r, wp, (((0,), (0,)), ((), ())),
        preferred_element_type=jnp.float32, precision=lax.Precision.HIGHEST)

    @pl.when(i == nblk - 1)
    def _():
        hi = lax.Precision.HIGHEST
        cond = cond_ref[...]
        gamma = jnp.dot(cond, wgam_ref[...], preferred_element_type=jnp.float32,
                        precision=hi) + bgam_ref[...]
        beta = jnp.dot(cond, wbet_ref[...], preferred_element_type=jnp.float32,
                       precision=hi) + bbet_ref[...]
        z = jnp.dot(gamma, m_acc[...], preferred_element_type=jnp.float32,
                    precision=hi) + bproj_ref[...] + beta
        z = jnp.maximum(z, 0.0)
        o = jnp.dot(z, wout_ref[...], preferred_element_type=jnp.float32,
                    precision=hi) + bout_ref[...]
        mx = jnp.max(o, axis=1, keepdims=True)
        lse = mx + jnp.log(jnp.sum(jnp.exp(o - mx), axis=1, keepdims=True))
        out_ref[...] = o - lse


def kernel(x, edge_index, condition, W_gcn, b_gcn, W_gamma, b_gamma, W_beta,
           b_beta, W_proj, b_proj, W_out, b_out):
    n, d = x.shape
    h = W_gcn.shape[1]
    e = edge_index.shape[1]
    b, c = condition.shape

    nblk = 10
    np_ = 10240
    assert n <= np_ and np_ % (NS * 8) == 0 and np_ % nblk == 0
    pad = np_ - n

    k = 128
    nb, cb = 2, 40
    ep = NW * nb * cb * k
    epad = ep - e
    assert epad >= 0 and pad > 0
    fill_src = n + (jnp.arange(epad, dtype=jnp.int32) % pad)
    fill_dst = n + ((jnp.arange(epad, dtype=jnp.int32) + 7) % pad)
    srcr = jnp.concatenate([edge_index[0], fill_src]).reshape(NW, nb, cb, k)
    dstr = jnp.concatenate([edge_index[1], fill_dst]).reshape(NW, nb, cb, k)
    rp = np_ // NS
    nr = np_ // 128
    z_deg = jnp.zeros((nr, 128), jnp.float32)

    dstr_deg = dstr.reshape(NW, nb * cb, k)
    deg2d = _make_deg(np_, nb * cb, k)(dstr_deg, z_deg)

    br = np_ // nblk
    dr = br // 128
    hp = pl.pallas_call(
        _hp_body,
        grid=(nblk,),
        in_specs=[
            pl.BlockSpec((NC, dr, 128), lambda i: (0, i, 0)),
            pl.BlockSpec((br, d), lambda i: (i, 0)),
            pl.BlockSpec((d, h), lambda i: (0, 0)),
        ],
        out_specs=pl.BlockSpec((br, h), lambda i: (i, 0)),
        out_shape=jax.ShapeDtypeStruct((np_, h), jnp.float32),
    )(deg2d, x, W_gcn)

    accs = _make_scat(np_, h, nb, cb, k)(srcr, dstr, hp)

    cst = lambda shape: pl.BlockSpec(shape, lambda i: tuple(0 for _ in shape))
    out = pl.pallas_call(
        functools.partial(_fin_body, nblk, n),
        grid=(nblk,),
        in_specs=[
            pl.BlockSpec((NC, dr, 128), lambda i: (0, i, 0)),
            pl.BlockSpec((NC, br, h), lambda i: (0, i, 0)),
            pl.BlockSpec((br, h), lambda i: (i, 0)),
            pl.BlockSpec((br, h), lambda i: (i, 0)),
            cst((b, c)),
            cst((c, h)),
            cst((1, h)),
            cst((c, h)),
            cst((1, h)),
            cst((1, h)),
            cst((1, h)),
            cst((h, 2)),
            cst((1, 2)),
        ],
        out_specs=pl.BlockSpec((b, 2), lambda i: (0, 0)),
        out_shape=jax.ShapeDtypeStruct((b, 2), jnp.float32),
        scratch_shapes=[pltpu.VMEM((h, h), jnp.float32)],
        compiler_params=pltpu.CompilerParams(
            dimension_semantics=("arbitrary",)),
    )(deg2d, accs, hp, W_proj, condition, W_gamma, b_gamma.reshape(1, h),
      W_beta, b_beta.reshape(1, h), b_gcn.reshape(1, h), b_proj.reshape(1, h),
      W_out, b_out.reshape(1, 2))
    return out

# --- scband reference (transcript-rebuilt; emitter-appended) ---
"""Pipeline reference for scband-fi-lmed-gnn-77309411776 (READ-ONLY COPY).

The authoritative reference and input builder live on the scoring server;
editing this copy changes nothing except your own understanding.
"""

import jax, jax.numpy as jnp
import numpy as np

N = 10000
E = 320000
D = 128
H = 128
C = 29
B = 64


def setup_inputs(seed: int = 0) -> dict:
    key = jax.random.key(seed)
    ks = jax.random.split(key, 13)
    x = jax.random.normal(ks[0], (N, D), dtype=jnp.float32)
    edge_index = jax.random.randint(ks[1], (2, E), 0, N, dtype=jnp.int32)
    condition = jax.random.normal(ks[2], (B, C), dtype=jnp.float32)
    # learned parameters (stored as [in, out] for jnp matmul)
    W_gcn = jax.random.normal(ks[3], (D, H), dtype=jnp.float32) / np.sqrt(D)
    b_gcn = jnp.zeros((H,), dtype=jnp.float32)
    W_gamma = jax.random.normal(ks[4], (C, H), dtype=jnp.float32) / np.sqrt(C)
    b_gamma = jax.random.normal(ks[5], (H,), dtype=jnp.float32) * 0.01
    W_beta = jax.random.normal(ks[6], (C, H), dtype=jnp.float32) / np.sqrt(C)
    b_beta = jax.random.normal(ks[7], (H,), dtype=jnp.float32) * 0.01
    # projection Linear(x.shape[1]=N, hidden_dim) created in forward; materialize fixed weights
    W_proj = jax.random.normal(ks[8], (N, H), dtype=jnp.float32) / np.sqrt(N)
    b_proj = jnp.zeros((H,), dtype=jnp.float32)
    W_out = jax.random.normal(ks[9], (H, 2), dtype=jnp.float32) / np.sqrt(H)
    b_out = jnp.zeros((2,), dtype=jnp.float32)
    return {
        "x": x, "edge_index": edge_index, "condition": condition,
        "W_gcn": W_gcn, "b_gcn": b_gcn,
        "W_gamma": W_gamma, "b_gamma": b_gamma,
        "W_beta": W_beta, "b_beta": b_beta,
        "W_proj": W_proj, "b_proj": b_proj,
        "W_out": W_out, "b_out": b_out,
    }


def _gcn_conv(x, edge_index, W, b):
    # GCNConv with add_self_loops=True and symmetric normalization
    src = edge_index[0]
    dst = edge_index[1]
    loop = jnp.arange(N, dtype=src.dtype)
    src2 = jnp.concatenate([src, loop])
    dst2 = jnp.concatenate([dst, loop])
    deg = jnp.zeros((N,), x.dtype).at[dst2].add(1.0)
    dinv = 1.0 / jnp.sqrt(deg)
    norm = dinv[src2] * dinv[dst2]
    h = x @ W
    msg = h[src2] * norm[:, None]
    out = jnp.zeros((N, W.shape[1]), x.dtype).at[dst2].add(msg)
    return out + b


def reference(x, edge_index, condition, W_gcn, b_gcn, W_gamma, b_gamma, W_beta, b_beta, W_proj, b_proj, W_out, b_out):
    gamma = condition @ W_gamma + b_gamma          # [B, H]
    beta = condition @ W_beta + b_beta             # [B, H]
    h = _gcn_conv(x, edge_index, W_gcn, b_gcn)     # [N, H]
    h = jax.nn.relu(h)
    hT = h.T                                       # [H, N]
    z = gamma @ hT                                 # [B, N]
    z = z @ W_proj + b_proj                        # [B, H]
    z = z + beta
    z = jax.nn.relu(z)
    # dropout is identity in eval mode
    out = z @ W_out + b_out                        # [B, 2]
    out = jax.nn.log_softmax(out, axis=1)
    return out

if __name__ == "__main__":
    import jax
    _d = setup_inputs()
    print(jax.jit(kernel)(*tuple(_d.values())))

</pallas_src>

<mosaic_0001>
#map = affine_map<(d0, d1) -> (0, 0, 0)>
#map1 = affine_map<(d0, d1) -> (0, 0)>
module attributes {stable_mosaic.version = 14 : i64} {
  func.func @_deg_body(%arg0: i32, %arg1: i32, %arg2: memref<32x80x128xi32, #tpu.memory_space<hbm>>, %arg3: memref<80x128xf32, #tpu.memory_space<hbm>>, %arg4: memref<2x80x128xf32, #tpu.memory_space<hbm>>, %arg5: memref<80x128xi32, #tpu.memory_space<vmem>>, %arg6: memref<80x128xf32, #tpu.memory_space<vmem>>, %arg7: memref<1x80xi32, #tpu.memory_space<vmem>>, %arg8: memref<80x128xf32, #tpu.memory_space<vmem_shared>>) attributes {dimension_semantics = [#tpu.dimension_semantics<core_parallel>, #tpu.dimension_semantics<subcore_parallel>], iteration_bounds = array<i64: 2, 16>, scalar_prefetch = 0 : i64, scratch_operands = 4 : i64, tpu.core_type = #tpu.core_type<sc_vector_subcore>, window_params = [{transform_indices = #map}, {transform_indices = #map1}, {transform_indices = #map}]} {
    %mul3A = arith.constant 16 : i32
    %mul3A_0 = arith.muli %arg0, %mul3A : i32
    %add3A = arith.addi %mul3A_0, %arg1 : i32
    "tpu.region"() ({
      %run_scoped3A_58 = tpu.sem_alloc : memref<!tpu.dma_semaphore, #tpu.memory_space<semaphore_mem>>
      %dma_start3A = arith.constant 0 : i32
      %dma_start3A_59 = arith.constant 0 : i32
      %dma_start3A_60 = tpu.memref_slice %arg2[%add3A, %dma_start3A, %dma_start3A_59] : memref<32x80x128xi32, #tpu.memory_space<hbm>> -> memref<1x80x128xi32, #tpu.memory_space<hbm>>
      %dma_start3A_61 = tpu.memref_squeeze %dma_start3A_60 : memref<1x80x128xi32, #tpu.memory_space<hbm>> -> memref<80x128xi32, #tpu.memory_space<hbm>>
      %dma_start3A_62 = arith.constant 0 : i32
      %dma_start3A_63 = arith.constant 0 : i32
      %dma_start3A_64 = tpu.memref_slice %arg2[%add3A, %dma_start3A_62, %dma_start3A_63] : memref<32x80x128xi32, #tpu.memory_space<hbm>> -> memref<1x80x128xi32, #tpu.memory_space<hbm>>
      %dma_start3A_65 = tpu.memref_squeeze %dma_start3A_64 : memref<1x80x128xi32, #tpu.memory_space<hbm>> -> memref<80x128xi32, #tpu.memory_space<hbm>>
      tpu.enqueue_dma source(%dma_start3A_65 : memref<80x128xi32, #tpu.memory_space<hbm>>) target(%arg5 : memref<80x128xi32, #tpu.memory_space<vmem>>) target_semaphore(%run_scoped3A_58 : memref<!tpu.dma_semaphore, #tpu.memory_space<semaphore_mem>>)
      %dma_wait3A = arith.constant 0 : i32
      %dma_wait3A_66 = arith.constant 0 : i32
      %dma_wait3A_67 = tpu.memref_slice %arg2[%add3A, %dma_wait3A, %dma_wait3A_66] : memref<32x80x128xi32, #tpu.memory_space<hbm>> -> memref<1x80x128xi32, #tpu.memory_space<hbm>>
      %dma_wait3A_68 = tpu.memref_squeeze %dma_wait3A_67 : memref<1x80x128xi32, #tpu.memory_space<hbm>> -> memref<80x128xi32, #tpu.memory_space<hbm>>
      %dma_wait3A_69 = arith.constant 0 : i32
      %dma_wait3A_70 = arith.constant 0 : i32
      %dma_wait3A_71 = tpu.memref_slice %arg2[%add3A, %dma_wait3A_69, %dma_wait3A_70] : memref<32x80x128xi32, #tpu.memory_space<hbm>> -> memref<1x80x128xi32, #tpu.memory_space<hbm>>
      %dma_wait3A_72 = tpu.memref_squeeze %dma_wait3A_71 : memref<1x80x128xi32, #tpu.memory_space<hbm>> -> memref<80x128xi32, #tpu.memory_space<hbm>>
      tpu.wait_dma2 semaphore(%run_scoped3A_58 : memref<!tpu.dma_semaphore, #tpu.memory_space<semaphore_mem>>) src(%dma_wait3A_72 : memref<80x128xi32, #tpu.memory_space<hbm>>) dst(%arg5 : memref<80x128xi32, #tpu.memory_space<vmem>>)
      tpu.yield
    }) : () -> ()
    %scan3A = arith.constant 0 : i32
    %scan3A_1 = arith.constant 0 : i32
    %scan3A_2 = arith.constant 80 : i32
    %scan3A_3 = arith.addi %scan3A_1, %scan3A_2 : i32
    %scan3A_4 = arith.constant 1 : i32
    scf.for %scan3A_58 = %scan3A_1 to %scan3A_3 step %scan3A_4  : i32 {
      %broadcast_in_dim3A_59 = arith.constant 0.000000e+00 : f32
      %broadcast_in_dim3A_60 = vector.broadcast %broadcast_in_dim3A_59 : f32 to vector<16xf32>
      %swap3A_61 = arith.index_cast %scan3A_58 : i32 to index
      %swap3A_62 = arith.constant 0 : index
      %swap3A_63 = tpu.vector_load %arg6[%swap3A_61, %swap3A_62] {strides = array<i32>} : memref<80x128xf32, #tpu.memory_space<vmem>>, vector<16xf32>,
      tpu.vector_store %arg6[%swap3A_61, %swap3A_62], %broadcast_in_dim3A_60 {strides = array<i32>} : memref<80x128xf32, #tpu.memory_space<vmem>>, vector<16xf32>,
      %broadcast_in_dim3A_64 = arith.constant 0.000000e+00 : f32
      %broadcast_in_dim3A_65 = vector.broadcast %broadcast_in_dim3A_64 : f32 to vector<16xf32>
      %swap3A_66 = arith.index_cast %scan3A_58 : i32 to index
      %swap3A_67 = arith.constant 16 : index
      %swap3A_68 = tpu.vector_load %arg6[%swap3A_66, %swap3A_67] {strides = array<i32>} : memref<80x128xf32, #tpu.memory_space<vmem>>, vector<16xf32>,
      tpu.vector_store %arg6[%swap3A_66, %swap3A_67], %broadcast_in_dim3A_65 {strides = array<i32>} : memref<80x128xf32, #tpu.memory_space<vmem>>, vector<16xf32>,
      %broadcast_in_dim3A_69 = arith.constant 0.000000e+00 : f32
      %broadcast_in_dim3A_70 = vector.broadcast %broadcast_in_dim3A_69 : f32 to vector<16xf32>
      %swap3A_71 = arith.index_cast %scan3A_58 : i32 to index
      %swap3A_72 = arith.constant 32 : index
      %swap3A_73 = tpu.vector_load %arg6[%swap3A_71, %swap3A_72] {strides = array<i32>} : memref<80x128xf32, #tpu.memory_space<vmem>>, vector<16xf32>,
      tpu.vector_store %arg6[%swap3A_71, %swap3A_72], %broadcast_in_dim3A_70 {strides = array<i32>} : memref<80x128xf32, #tpu.memory_space<vmem>>, vector<16xf32>,
      %broadcast_in_dim3A_74 = arith.constant 0.000000e+00 : f32
      %broadcast_in_dim3A_75 = vector.broadcast %broadcast_in_dim3A_74 : f32 to vector<16xf32>
      %swap3A_76 = arith.index_cast %scan3A_58 : i32 to index
      %swap3A_77 = arith.constant 48 : index
      %swap3A_78 = tpu.vector_load %arg6[%swap3A_76, %swap3A_77] {strides = array<i32>} : memref<80x128xf32, #tpu.memory_space<vmem>>, vector<16xf32>,
      tpu.vector_store %arg6[%swap3A_76, %swap3A_77], %broadcast_in_dim3A_75 {strides = array<i32>} : memref<80x128xf32, #tpu.memory_space<vmem>>, vector<16xf32>,
      %broadcast_in_dim3A_79 = arith.constant 0.000000e+00 : f32
      %broadcast_in_dim3A_80 = vector.broadcast %broadcast_in_dim3A_79 : f32 to vector<16xf32>
      %swap3A_81 = arith.index_cast %scan3A_58 : i32 to index
      %swap3A_82 = arith.constant 64 : index
      %swap3A_83 = tpu.vector_load %arg6[%swap3A_81, %swap3A_82] {strides = array<i32>} : memref<80x128xf32, #tpu.memory_space<vmem>>, vector<16xf32>,
      tpu.vector_store %arg6[%swap3A_81, %swap3A_82], %broadcast_in_dim3A_80 {strides = array<i32>} : memref<80x128xf32, #tpu.memory_space<vmem>>, vector<16xf32>,
      %broadcast_in_dim3A_84 = arith.constant 0.000000e+00 : f32
      %broadcast_in_dim3A_85 = vector.broadcast %broadcast_in_dim3A_84 : f32 to vector<16xf32>
      %swap3A_86 = arith.index_cast %scan3A_58 : i32 to index
      %swap3A_87 = arith.constant 80 : index
      %swap3A_88 = tpu.vector_load %arg6[%swap3A_86, %swap3A_87] {strides = array<i32>} : memref<80x128xf32, #tpu.memory_space<vmem>>, vector<16xf32>,
      tpu.vector_store %arg6[%swap3A_86, %swap3A_87], %broadcast_in_dim3A_85 {strides = array<i32>} : memref<80x128xf32, #tpu.memory_space<vmem>>, vector<16xf32>,
      %broadcast_in_dim3A_89 = arith.constant 0.000000e+00 : f32
      %broadcast_in_dim3A_90 = vector.broadcast %broadcast_in_dim3A_89 : f32 to vector<16xf32>
      %swap3A_91 = arith.index_cast %scan3A_58 : i32 to index
      %swap3A_92 = arith.constant 96 : index
      %swap3A_93 = tpu.vector_load %arg6[%swap3A_91, %swap3A_92] {strides = array<i32>} : memref<80x128xf32, #tpu.memory_space<vmem>>, vector<16xf32>,
      tpu.vector_store %arg6[%swap3A_91, %swap3A_92], %broadcast_in_dim3A_90 {strides = array<i32>} : memref<80x128xf32, #tpu.memory_space<vmem>>, vector<16xf32>,
      %broadcast_in_dim3A_94 = arith.constant 0.000000e+00 : f32
      %broadcast_in_dim3A_95 = vector.broadcast %broadcast_in_dim3A_94 : f32 to vector<16xf32>
      %swap3A_96 = arith.index_cast %scan3A_58 : i32 to index
      %swap3A_97 = arith.constant 112 : index
      %swap3A_98 = tpu.vector_load %arg6[%swap3A_96, %swap3A_97] {strides = array<i32>} : memref<80x128xf32, #tpu.memory_space<vmem>>, vector<16xf32>,
      tpu.vector_store %arg6[%swap3A_96, %swap3A_97], %broadcast_in_dim3A_95 {strides = array<i32>} : memref<80x128xf32, #tpu.memory_space<vmem>>, vector<16xf32>,
    }
    %scan3A_5 = arith.constant 80 : i32
    %iota3A = tpu.iota {dimensions = array<i32: 0>} : vector<16xi32>
    %add3A_6 = arith.constant 0 : i32
    %add3A_7 = vector.broadcast %add3A_6 : i32 to vector<16xi32>
    %add3A_8 = arith.addi %iota3A, %add3A_7 : vector<16xi32>
    %swap3A = arith.constant 0 : i32
    %swap3A_9 = arith.index_cast %swap3A : i32 to index
    %swap3A_10 = arith.constant 0 : index
    %swap3A_11 = tpu.vector_load %arg7[%swap3A_9, %swap3A_10] {strides = array<i32>} : memref<1x80xi32, #tpu.memory_space<vmem>>, vector<16xi32>,
    tpu.vector_store %arg7[%swap3A_9, %swap3A_10], %add3A_8 {strides = array<i32>} : memref<1x80xi32, #tpu.memory_space<vmem>>, vector<16xi32>,
    %iota3A_12 = tpu.iota {dimensions = array<i32: 0>} : vector<16xi32>
    %add3A_13 = arith.constant 16 : i32
    %add3A_14 = vector.broadcast %add3A_13 : i32 to vector<16xi32>
    %add3A_15 = arith.addi %iota3A_12, %add3A_14 : vector<16xi32>
    %swap3A_16 = arith.constant 0 : i32
    %swap3A_17 = arith.index_cast %swap3A_16 : i32 to index
    %swap3A_18 = arith.constant 16 : index
    %swap3A_19 = tpu.vector_load %arg7[%swap3A_17, %swap3A_18] {strides = array<i32>} : memref<1x80xi32, #tpu.memory_space<vmem>>, vector<16xi32>,
    tpu.vector_store %arg7[%swap3A_17, %swap3A_18], %add3A_15 {strides = array<i32>} : memref<1x80xi32, #tpu.memory_space<vmem>>, vector<16xi32>,
    %iota3A_20 = tpu.iota {dimensions = array<i32: 0>} : vector<16xi32>
    %add3A_21 = arith.constant 32 : i32
    %add3A_22 = vector.broadcast %add3A_21 : i32 to vector<16xi32>
    %add3A_23 = arith.addi %iota3A_20, %add3A_22 : vector<16xi32>
    %swap3A_24 = arith.constant 0 : i32
    %swap3A_25 = arith.index_cast %swap3A_24 : i32 to index
    %swap3A_26 = arith.constant 32 : index
    %swap3A_27 = tpu.vector_load %arg7[%swap3A_25, %swap3A_26] {strides = array<i32>} : memref<1x80xi32, #tpu.memory_space<vmem>>, vector<16xi32>,
    tpu.vector_store %arg7[%swap3A_25, %swap3A_26], %add3A_23 {strides = array<i32>} : memref<1x80xi32, #tpu.memory_space<vmem>>, vector<16xi32>,
    %iota3A_28 = tpu.iota {dimensions = array<i32: 0>} : vector<16xi32>
    %add3A_29 = arith.constant 48 : i32
    %add3A_30 = vector.broadcast %add3A_29 : i32 to vector<16xi32>
    %add3A_31 = arith.addi %iota3A_28, %add3A_30 : vector<16xi32>
    %swap3A_32 = arith.constant 0 : i32
    %swap3A_33 = arith.index_cast %swap3A_32 : i32 to index
    %swap3A_34 = arith.constant 48 : index
    %swap3A_35 = tpu.vector_load %arg7[%swap3A_33, %swap3A_34] {strides = array<i32>} : memref<1x80xi32, #tpu.memory_space<vmem>>, vector<16xi32>,
    tpu.vector_store %arg7[%swap3A_33, %swap3A_34], %add3A_31 {strides = array<i32>} : memref<1x80xi32, #tpu.memory_space<vmem>>, vector<16xi32>,
    %iota3A_36 = tpu.iota {dimensions = array<i32: 0>} : vector<16xi32>
    %add3A_37 = arith.constant 64 : i32
    %add3A_38 = vector.broadcast %add3A_37 : i32 to vector<16xi32>
    %add3A_39 = arith.addi %iota3A_36, %add3A_38 : vector<16xi32>
    %swap3A_40 = arith.constant 0 : i32
    %swap3A_41 = arith.index_cast %swap3A_40 : i32 to index
    %swap3A_42 = arith.constant 64 : index
    %swap3A_43 = tpu.vector_load %arg7[%swap3A_41, %swap3A_42] {strides = array<i32>} : memref<1x80xi32, #tpu.memory_space<vmem>>, vector<16xi32>,
    tpu.vector_store %arg7[%swap3A_41, %swap3A_42], %add3A_39 {strides = array<i32>} : memref<1x80xi32, #tpu.memory_space<vmem>>, vector<16xi32>,
    %eq3A = arith.constant 0 : i32
    %eq3A_44 = arith.cmpi eq, %arg1, %eq3A : i32
    %convert_element_type3A = arith.extui %eq3A_44 : i1 to i32
    %cond3A = arith.constant 0 : i32
    %cond3A_45 = arith.cmpi ne, %convert_element_type3A, %cond3A : i32
    scf.if %cond3A_45 {
      "tpu.region"() ({
        %run_scoped3A_58 = tpu.sem_alloc : memref<!tpu.dma_semaphore, #tpu.memory_space<semaphore_mem>>
        tpu.enqueue_dma source(%arg3 : memref<80x128xf32, #tpu.memory_space<hbm>>) target(%arg8 : memref<80x128xf32, #tpu.memory_space<vmem_shared>>) target_semaphore(%run_scoped3A_58 : memref<!tpu.dma_semaphore, #tpu.memory_space<semaphore_mem>>)
        tpu.wait_dma2 semaphore(%run_scoped3A_58 : memref<!tpu.dma_semaphore, #tpu.memory_space<semaphore_mem>>) src(%arg3 : memref<80x128xf32, #tpu.memory_space<hbm>>) dst(%arg8 : memref<80x128xf32, #tpu.memory_space<vmem_shared>>)
        tpu.yield
      }) : () -> ()
    } else {
    }
    %broadcast_in_dim3A = arith.constant 1.000000e+00 : f32
    %broadcast_in_dim3A_46 = vector.broadcast %broadcast_in_dim3A : f32 to vector<16xf32>
    %scan3A_47 = arith.constant 0 : i32
    %scan3A_48 = arith.constant 0 : i32
    %scan3A_49 = arith.constant 80 : i32
    %scan3A_50 = arith.addi %scan3A_48, %scan3A_49 : i32
    %scan3A_51 = arith.constant 1 : i32
    scf.for %scan3A_58 = %scan3A_48 to %scan3A_50 step %scan3A_51  : i32 {
      %get3A = arith.index_cast %scan3A_58 : i32 to index
      %get3A_59 = arith.constant 0 : index
      %get3A_60 = tpu.vector_load %arg5[%get3A, %get3A_59] {strides = array<i32>} : memref<80x128xi32, #tpu.memory_space<vmem>>, vector<16xi32>,
      %shift_right_logical3A = arith.constant 7 : i32
      %shift_right_logical3A_61 = vector.broadcast %shift_right_logical3A : i32 to vector<16xi32>
      %shift_right_logical3A_62 = arith.shrui %get3A_60, %shift_right_logical3A_61 : vector<16xi32>
      %and3A = arith.constant 127 : i32
      %and3A_63 = vector.broadcast %and3A : i32 to vector<16xi32>
      %and3A_64 = arith.andi %get3A_60, %and3A_63 : vector<16xi32>
      tpu.vector_store_idx %arg6[%shift_right_logical3A_62, %and3A_64], %broadcast_in_dim3A_46 {add = true} : memref<80x128xf32, #tpu.memory_space<vmem>>[vector<16xi32>, vector<16xi32>], vector<16xf32>,
      %get3A_65 = arith.index_cast %scan3A_58 : i32 to index
      %get3A_66 = arith.constant 16 : index
      %get3A_67 = tpu.vector_load %arg5[%get3A_65, %get3A_66] {strides = array<i32>} : memref<80x128xi32, #tpu.memory_space<vmem>>, vector<16xi32>,
      %shift_right_logical3A_68 = arith.constant 7 : i32
      %shift_right_logical3A_69 = vector.broadcast %shift_right_logical3A_68 : i32 to vector<16xi32>
      %shift_right_logical3A_70 = arith.shrui %get3A_67, %shift_right_logical3A_69 : vector<16xi32>
      %and3A_71 = arith.constant 127 : i32
      %and3A_72 = vector.broadcast %and3A_71 : i32 to vector<16xi32>
      %and3A_73 = arith.andi %get3A_67, %and3A_72 : vector<16xi32>
      tpu.vector_store_idx %arg6[%shift_right_logical3A_70, %and3A_73], %broadcast_in_dim3A_46 {add = true} : memref<80x128xf32, #tpu.memory_space<vmem>>[vector<16xi32>, vector<16xi32>], vector<16xf32>,
      %get3A_74 = arith.index_cast %scan3A_58 : i32 to index
      %get3A_75 = arith.constant 32 : index
      %get3A_76 = tpu.vector_load %arg5[%get3A_74, %get3A_75] {strides = array<i32>} : memref<80x128xi32, #tpu.memory_space<vmem>>, vector<16xi32>,
      %shift_right_logical3A_77 = arith.constant 7 : i32
      %shift_right_logical3A_78 = vector.broadcast %shift_right_logical3A_77 : i32 to vector<16xi32>
      %shift_right_logical3A_79 = arith.shrui %get3A_76, %shift_right_logical3A_78 : vector<16xi32>
      %and3A_80 = arith.constant 127 : i32
      %and3A_81 = vector.broadcast %and3A_80 : i32 to vector<16xi32>
      %and3A_82 = arith.andi %get3A_76, %and3A_81 : vector<16xi32>
      tpu.vector_store_idx %arg6[%shift_right_logical3A_79, %and3A_82], %broadcast_in_dim3A_46 {add = true} : memref<80x128xf32, #tpu.memory_space<vmem>>[vector<16xi32>, vector<16xi32>], vector<16xf32>,
      %get3A_83 = arith.index_cast %scan3A_58 : i32 to index
      %get3A_84 = arith.constant 48 : index
      %get3A_85 = tpu.vector_load %arg5[%get3A_83, %get3A_84] {strides = array<i32>} : memref<80x128xi32, #tpu.memory_space<vmem>>, vector<16xi32>,
      %shift_right_logical3A_86 = arith.constant 7 : i32
      %shift_right_logical3A_87 = vector.broadcast %shift_right_logical3A_86 : i32 to vector<16xi32>
      %shift_right_logical3A_88 = arith.shrui %get3A_85, %shift_right_logical3A_87 : vector<16xi32>
      %and3A_89 = arith.constant 127 : i32
      %and3A_90 = vector.broadcast %and3A_89 : i32 to vector<16xi32>
      %and3A_91 = arith.andi %get3A_85, %and3A_90 : vector<16xi32>
      tpu.vector_store_idx %arg6[%shift_right_logical3A_88, %and3A_91], %broadcast_in_dim3A_46 {add = true} : memref<80x128xf32, #tpu.memory_space<vmem>>[vector<16xi32>, vector<16xi32>], vector<16xf32>,
      %get3A_92 = arith.index_cast %scan3A_58 : i32 to index
      %get3A_93 = arith.constant 64 : index
      %get3A_94 = tpu.vector_load %arg5[%get3A_92, %get3A_93] {strides = array<i32>} : memref<80x128xi32, #tpu.memory_space<vmem>>, vector<16xi32>,
      %shift_right_logical3A_95 = arith.constant 7 : i32
      %shift_right_logical3A_96 = vector.broadcast %shift_right_logical3A_95 : i32 to vector<16xi32>
      %shift_right_logical3A_97 = arith.shrui %get3A_94, %shift_right_logical3A_96 : vector<16xi32>
      %and3A_98 = arith.constant 127 : i32
      %and3A_99 = vector.broadcast %and3A_98 : i32 to vector<16xi32>
      %and3A_100 = arith.andi %get3A_94, %and3A_99 : vector<16xi32>
      tpu.vector_store_idx %arg6[%shift_right_logical3A_97, %and3A_100], %broadcast_in_dim3A_46 {add = true} : memref<80x128xf32, #tpu.memory_space<vmem>>[vector<16xi32>, vector<16xi32>], vector<16xf32>,
      %get3A_101 = arith.index_cast %scan3A_58 : i32 to index
      %get3A_102 = arith.constant 80 : index
      %get3A_103 = tpu.vector_load %arg5[%get3A_101, %get3A_102] {strides = array<i32>} : memref<80x128xi32, #tpu.memory_space<vmem>>, vector<16xi32>,
      %shift_right_logical3A_104 = arith.constant 7 : i32
      %shift_right_logical3A_105 = vector.broadcast %shift_right_logical3A_104 : i32 to vector<16xi32>
      %shift_right_logical3A_106 = arith.shrui %get3A_103, %shift_right_logical3A_105 : vector<16xi32>
      %and3A_107 = arith.constant 127 : i32
      %and3A_108 = vector.broadcast %and3A_107 : i32 to vector<16xi32>
      %and3A_109 = arith.andi %get3A_103, %and3A_108 : vector<16xi32>
      tpu.vector_store_idx %arg6[%shift_right_logical3A_106, %and3A_109], %broadcast_in_dim3A_46 {add = true} : memref<80x128xf32, #tpu.memory_space<vmem>>[vector<16xi32>, vector<16xi32>], vector<16xf32>,
      %get3A_110 = arith.index_cast %scan3A_58 : i32 to index
      %get3A_111 = arith.constant 96 : index
      %get3A_112 = tpu.vector_load %arg5[%get3A_110, %get3A_111] {strides = array<i32>} : memref<80x128xi32, #tpu.memory_space<vmem>>, vector<16xi32>,
      %shift_right_logical3A_113 = arith.constant 7 : i32
      %shift_right_logical3A_114 = vector.broadcast %shift_right_logical3A_113 : i32 to vector<16xi32>
      %shift_right_logical3A_115 = arith.shrui %get3A_112, %shift_right_logical3A_114 : vector<16xi32>
      %and3A_116 = arith.constant 127 : i32
      %and3A_117 = vector.broadcast %and3A_116 : i32 to vector<16xi32>
      %and3A_118 = arith.andi %get3A_112, %and3A_117 : vector<16xi32>
      tpu.vector_store_idx %arg6[%shift_right_logical3A_115, %and3A_118], %broadcast_in_dim3A_46 {add = true} : memref<80x128xf32, #tpu.memory_space<vmem>>[vector<16xi32>, vector<16xi32>], vector<16xf32>,
      %get3A_119 = arith.index_cast %scan3A_58 : i32 to index
      %get3A_120 = arith.constant 112 : index
      %get3A_121 = tpu.vector_load %arg5[%get3A_119, %get3A_120] {strides = array<i32>} : memref<80x128xi32, #tpu.memory_space<vmem>>, vector<16xi32>,
      %shift_right_logical3A_122 = arith.constant 7 : i32
      %shift_right_logical3A_123 = vector.broadcast %shift_right_logical3A_122 : i32 to vector<16xi32>
      %shift_right_logical3A_124 = arith.shrui %get3A_121, %shift_right_logical3A_123 : vector<16xi32>
      %and3A_125 = arith.constant 127 : i32
      %and3A_126 = vector.broadcast %and3A_125 : i32 to vector<16xi32>
      %and3A_127 = arith.andi %get3A_121, %and3A_126 : vector<16xi32>
      tpu.vector_store_idx %arg6[%shift_right_logical3A_124, %and3A_127], %broadcast_in_dim3A_46 {add = true} : memref<80x128xf32, #tpu.memory_space<vmem>>[vector<16xi32>, vector<16xi32>], vector<16xf32>,
    }
    %scan3A_52 = arith.constant 80 : i32
    %barrier3A = arith.constant 0 : index
    tpu.barrier barrier_id(%barrier3A)
    %run_scoped3A = arith.constant 0 : i32
    "tpu.region"() ({
      %run_scoped3A_58 = tpu.sem_alloc : memref<!tpu.dma_semaphore, #tpu.memory_space<semaphore_mem>>
      %dma_start3A = arith.constant 0 : i32
      %dma_start3A_59 = tpu.memref_slice %arg7[%run_scoped3A, %dma_start3A] : memref<1x80xi32, #tpu.memory_space<vmem>> -> memref<1x80xi32, #tpu.memory_space<vmem>>
      %dma_start3A_60 = tpu.memref_squeeze %dma_start3A_59 : memref<1x80xi32, #tpu.memory_space<vmem>> -> memref<80xi32, #tpu.memory_space<vmem>>
      %dma_start3A_61 = arith.constant 0 : i32
      %dma_start3A_62 = arith.constant 0 : i32
      %dma_start3A_63 = tpu.memref_slice %arg8[%dma_start3A_61, %dma_start3A_62] : memref<80x128xf32, #tpu.memory_space<vmem_shared>> -> memref<80x128xf32, #tpu.memory_space<vmem_shared>>
      tpu.enqueue_indirect_dma source(%arg6 : memref<80x128xf32, #tpu.memory_space<vmem>>) target(%dma_start3A_63 : memref<80x128xf32, #tpu.memory_space<vmem_shared>>) offsets(%dma_start3A_60 : memref<80xi32, #tpu.memory_space<vmem>>) semaphore(%run_scoped3A_58 : memref<!tpu.dma_semaphore, #tpu.memory_space<semaphore_mem>>) {add = true}
      %dma_wait3A = arith.constant 0 : i32
      %dma_wait3A_64 = tpu.memref_slice %arg7[%run_scoped3A, %dma_wait3A] : memref<1x80xi32, #tpu.memory_space<vmem>> -> memref<1x80xi32, #tpu.memory_space<vmem>>
      %dma_wait3A_65 = tpu.memref_squeeze %dma_wait3A_64 : memref<1x80xi32, #tpu.memory_space<vmem>> -> memref<80xi32, #tpu.memory_space<vmem>>
      %dma_wait3A_66 = arith.constant 0 : i32
      %dma_wait3A_67 = arith.constant 0 : i32
      %dma_wait3A_68 = tpu.memref_slice %arg8[%dma_wait3A_66, %dma_wait3A_67] : memref<80x128xf32, #tpu.memory_space<vmem_shared>> -> memref<80x128xf32, #tpu.memory_space<vmem_shared>>
      tpu.wait_indirect_dma semaphore(%run_scoped3A_58 : memref<!tpu.dma_semaphore, #tpu.memory_space<semaphore_mem>>) src(%arg6 : memref<80x128xf32, #tpu.memory_space<vmem>>) dst(%dma_wait3A_68 : memref<80x128xf32, #tpu.memory_space<vmem_shared>>)
      tpu.yield
    }) : () -> ()
    %barrier3A_53 = arith.constant 0 : index
    tpu.barrier barrier_id(%barrier3A_53)
    %lt3A = arith.constant 10 : i32
    %lt3A_54 = arith.cmpi slt, %arg1, %lt3A : i32
    %convert_element_type3A_55 = arith.extui %lt3A_54 : i1 to i32
    %cond3A_56 = arith.constant 0 : i32
    %cond3A_57 = arith.cmpi ne, %convert_element_type3A_55, %cond3A_56 : i32
    scf.if %cond3A_57 {
      %mul3A_58 = arith.constant 8 : i32
      %mul3A_59 = arith.muli %arg1, %mul3A_58 : i32
      %mul3A_60 = arith.constant 8 : i32
      %mul3A_61 = arith.muli %arg1, %mul3A_60 : i32
      "tpu.region"() ({
        %run_scoped3A_62 = tpu.sem_alloc : memref<!tpu.dma_semaphore, #tpu.memory_space<semaphore_mem>>
        %dma_start3A = arith.constant 0 : i32
        %dma_start3A_63 = tpu.memref_slice %arg4[%arg0, %mul3A_61, %dma_start3A] : memref<2x80x128xf32, #tpu.memory_space<hbm>> -> memref<1x8x128xf32, #tpu.memory_space<hbm>>
        %dma_start3A_64 = tpu.memref_squeeze %dma_start3A_63 : memref<1x8x128xf32, #tpu.memory_space<hbm>> -> memref<8x128xf32, #tpu.memory_space<hbm>>
        %dma_start3A_65 = arith.constant 0 : i32
        %dma_start3A_66 = tpu.memref_slice %arg8[%mul3A_59, %dma_start3A_65] : memref<80x128xf32, #tpu.memory_space<vmem_shared>> -> memref<8x128xf32, #tpu.memory_space<vmem_shared>>
        tpu.enqueue_dma source(%dma_start3A_66 : memref<8x128xf32, #tpu.memory_space<vmem_shared>>) target(%dma_start3A_64 : memref<8x128xf32, #tpu.memory_space<hbm>>) target_semaphore(%run_scoped3A_62 : memref<!tpu.dma_semaphore, #tpu.memory_space<semaphore_mem>>)
        %dma_wait3A = arith.constant 0 : i32
        %dma_wait3A_67 = tpu.memref_slice %arg4[%arg0, %mul3A_61, %dma_wait3A] : memref<2x80x128xf32, #tpu.memory_space<hbm>> -> memref<1x8x128xf32, #tpu.memory_space<hbm>>
        %dma_wait3A_68 = tpu.memref_squeeze %dma_wait3A_67 : memref<1x8x128xf32, #tpu.memory_space<hbm>> -> memref<8x128xf32, #tpu.memory_space<hbm>>
        %dma_wait3A_69 = arith.constant 0 : i32
        %dma_wait3A_70 = tpu.memref_slice %arg8[%mul3A_59, %dma_wait3A_69] : memref<80x128xf32, #tpu.memory_space<vmem_shared>> -> memref<8x128xf32, #tpu.memory_space<vmem_shared>>
        tpu.wait_dma2 semaphore(%run_scoped3A_62 : memref<!tpu.dma_semaphore, #tpu.memory_space<semaphore_mem>>) src(%dma_wait3A_70 : memref<8x128xf32, #tpu.memory_space<vmem_shared>>) dst(%dma_wait3A_68 : memref<8x128xf32, #tpu.memory_space<hbm>>)
        tpu.yield
      }) : () -> ()
    } else {
    }
    return
  }
}

#map = affine_map<(d0, d1) -> (0, 0, 0, 0)>
#map1 = affine_map<(d0, d1) -> (0, 0)>
#map2 = affine_map<(d0, d1) -> (0, 0, 0)>
module attributes {stable_mosaic.version = 14 : i64} {
  func.func @_scat_body(%arg0: i32, %arg1: i32, %arg2: memref<32x2x40x128xi32, #tpu.memory_space<hbm>>, %arg3: memref<32x2x40x128xi32, #tpu.memory_space<hbm>>, %arg4: memref<10240x128xf32, #tpu.memory_space<hbm>>, %arg5: memref<2x10240x128xf32, #tpu.memory_space<hbm>>, %arg6: memref<40x128xi32, #tpu.memory_space<vmem>>, %arg7: memref<40x128xi32, #tpu.memory_space<vmem>>, %arg8: memref<128x128xf32, #tpu.memory_space<vmem>>, %arg9: memref<128x128xf32, #tpu.memory_space<vmem>>, %arg10: memref<10240x128xf32, #tpu.memory_space<vmem_shared>>, %arg11: memref<!tpu.dma_semaphore, #tpu.memory_space<semaphore_mem>>, %arg12: memref<!tpu.dma_semaphore, #tpu.memory_space<semaphore_mem>>) attributes {dimension_semantics = [#tpu.dimension_semantics<core_parallel>, #tpu.dimension_semantics<subcore_parallel>], iteration_bounds = array<i64: 2, 16>, scalar_prefetch = 0 : i64, scratch_operands = 7 : i64, tpu.core_type = #tpu.core_type<sc_vector_subcore>, window_params = [{transform_indices = #map}, {transform_indices = #map}, {transform_indices = #map1}, {transform_indices = #map2}]} {
    %mul3A = arith.constant 16 : i32
    %mul3A_0 = arith.muli %arg0, %mul3A : i32
    %add3A = arith.addi %mul3A_0, %arg1 : i32
    %scan3A = arith.constant 0 : i32
    %scan3A_1 = arith.constant 0 : i32
    %scan3A_2 = arith.constant 128 : i32
    %scan3A_3 = arith.addi %scan3A_1, %scan3A_2 : i32
    %scan3A_4 = arith.constant 1 : i32
    scf.for %scan3A_59 = %scan3A_1 to %scan3A_3 step %scan3A_4  : i32 {
      %broadcast_in_dim3A = arith.constant 0.000000e+00 : f32
      %broadcast_in_dim3A_60 = vector.broadcast %broadcast_in_dim3A : f32 to vector<16xf32>
      %swap3A = arith.index_cast %scan3A_59 : i32 to index
      %swap3A_61 = arith.constant 0 : index
      %swap3A_62 = tpu.vector_load %arg8[%swap3A, %swap3A_61] {strides = array<i32>} : memref<128x128xf32, #tpu.memory_space<vmem>>, vector<1x16xf32>,
      %swap3A_63 = vector.shape_cast %swap3A_62 : vector<1x16xf32> to vector<16xf32>
      %swap3A_64 = vector.shape_cast %broadcast_in_dim3A_60 : vector<16xf32> to vector<1x16xf32>
      tpu.vector_store %arg8[%swap3A, %swap3A_61], %swap3A_64 {strides = array<i32>} : memref<128x128xf32, #tpu.memory_space<vmem>>, vector<1x16xf32>,
      %broadcast_in_dim3A_65 = arith.constant 0.000000e+00 : f32
      %broadcast_in_dim3A_66 = vector.broadcast %broadcast_in_dim3A_65 : f32 to vector<16xf32>
      %swap3A_67 = arith.index_cast %scan3A_59 : i32 to index
      %swap3A_68 = arith.constant 16 : index
      %swap3A_69 = tpu.vector_load %arg8[%swap3A_67, %swap3A_68] {strides = array<i32>} : memref<128x128xf32, #tpu.memory_space<vmem>>, vector<1x16xf32>,
      %swap3A_70 = vector.shape_cast %swap3A_69 : vector<1x16xf32> to vector<16xf32>
      %swap3A_71 = vector.shape_cast %broadcast_in_dim3A_66 : vector<16xf32> to vector<1x16xf32>
      tpu.vector_store %arg8[%swap3A_67, %swap3A_68], %swap3A_71 {strides = array<i32>} : memref<128x128xf32, #tpu.memory_space<vmem>>, vector<1x16xf32>,
      %broadcast_in_dim3A_72 = arith.constant 0.000000e+00 : f32
      %broadcast_in_dim3A_73 = vector.broadcast %broadcast_in_dim3A_72 : f32 to vector<16xf32>
      %swap3A_74 = arith.index_cast %scan3A_59 : i32 to index
      %swap3A_75 = arith.constant 32 : index
      %swap3A_76 = tpu.vector_load %arg8[%swap3A_74, %swap3A_75] {strides = array<i32>} : memref<128x128xf32, #tpu.memory_space<vmem>>, vector<1x16xf32>,
      %swap3A_77 = vector.shape_cast %swap3A_76 : vector<1x16xf32> to vector<16xf32>
      %swap3A_78 = vector.shape_cast %broadcast_in_dim3A_73 : vector<16xf32> to vector<1x16xf32>
      tpu.vector_store %arg8[%swap3A_74, %swap3A_75], %swap3A_78 {strides = array<i32>} : memref<128x128xf32, #tpu.memory_space<vmem>>, vector<1x16xf32>,
      %broadcast_in_dim3A_79 = arith.constant 0.000000e+00 : f32
      %broadcast_in_dim3A_80 = vector.broadcast %broadcast_in_dim3A_79 : f32 to vector<16xf32>
      %swap3A_81 = arith.index_cast %scan3A_59 : i32 to index
      %swap3A_82 = arith.constant 48 : index
      %swap3A_83 = tpu.vector_load %arg8[%swap3A_81, %swap3A_82] {strides = array<i32>} : memref<128x128xf32, #tpu.memory_space<vmem>>, vector<1x16xf32>,
      %swap3A_84 = vector.shape_cast %swap3A_83 : vector<1x16xf32> to vector<16xf32>
      %swap3A_85 = vector.shape_cast %broadcast_in_dim3A_80 : vector<16xf32> to vector<1x16xf32>
      tpu.vector_store %arg8[%swap3A_81, %swap3A_82], %swap3A_85 {strides = array<i32>} : memref<128x128xf32, #tpu.memory_space<vmem>>, vector<1x16xf32>,
      %broadcast_in_dim3A_86 = arith.constant 0.000000e+00 : f32
      %broadcast_in_dim3A_87 = vector.broadcast %broadcast_in_dim3A_86 : f32 to vector<16xf32>
      %swap3A_88 = arith.index_cast %scan3A_59 : i32 to index
      %swap3A_89 = arith.constant 64 : index
      %swap3A_90 = tpu.vector_load %arg8[%swap3A_88, %swap3A_89] {strides = array<i32>} : memref<128x128xf32, #tpu.memory_space<vmem>>, vector<1x16xf32>,
      %swap3A_91 = vector.shape_cast %swap3A_90 : vector<1x16xf32> to vector<16xf32>
      %swap3A_92 = vector.shape_cast %broadcast_in_dim3A_87 : vector<16xf32> to vector<1x16xf32>
      tpu.vector_store %arg8[%swap3A_88, %swap3A_89], %swap3A_92 {strides = array<i32>} : memref<128x128xf32, #tpu.memory_space<vmem>>, vector<1x16xf32>,
      %broadcast_in_dim3A_93 = arith.constant 0.000000e+00 : f32
      %broadcast_in_dim3A_94 = vector.broadcast %broadcast_in_dim3A_93 : f32 to vector<16xf32>
      %swap3A_95 = arith.index_cast %scan3A_59 : i32 to index
      %swap3A_96 = arith.constant 80 : index
      %swap3A_97 = tpu.vector_load %arg8[%swap3A_95, %swap3A_96] {strides = array<i32>} : memref<128x128xf32, #tpu.memory_space<vmem>>, vector<1x16xf32>,
      %swap3A_98 = vector.shape_cast %swap3A_97 : vector<1x16xf32> to vector<16xf32>
      %swap3A_99 = vector.shape_cast %broadcast_in_dim3A_94 : vector<16xf32> to vector<1x16xf32>
      tpu.vector_store %arg8[%swap3A_95, %swap3A_96], %swap3A_99 {strides = array<i32>} : memref<128x128xf32, #tpu.memory_space<vmem>>, vector<1x16xf32>,
      %broadcast_in_dim3A_100 = arith.constant 0.000000e+00 : f32
      %broadcast_in_dim3A_101 = vector.broadcast %broadcast_in_dim3A_100 : f32 to vector<16xf32>
      %swap3A_102 = arith.index_cast %scan3A_59 : i32 to index
      %swap3A_103 = arith.constant 96 : index
      %swap3A_104 = tpu.vector_load %arg8[%swap3A_102, %swap3A_103] {strides = array<i32>} : memref<128x128xf32, #tpu.memory_space<vmem>>, vector<1x16xf32>,
      %swap3A_105 = vector.shape_cast %swap3A_104 : vector<1x16xf32> to vector<16xf32>
      %swap3A_106 = vector.shape_cast %broadcast_in_dim3A_101 : vector<16xf32> to vector<1x16xf32>
      tpu.vector_store %arg8[%swap3A_102, %swap3A_103], %swap3A_106 {strides = array<i32>} : memref<128x128xf32, #tpu.memory_space<vmem>>, vector<1x16xf32>,
      %broadcast_in_dim3A_107 = arith.constant 0.000000e+00 : f32
      %broadcast_in_dim3A_108 = vector.broadcast %broadcast_in_dim3A_107 : f32 to vector<16xf32>
      %swap3A_109 = arith.index_cast %scan3A_59 : i32 to index
      %swap3A_110 = arith.constant 112 : index
      %swap3A_111 = tpu.vector_load %arg8[%swap3A_109, %swap3A_110] {strides = array<i32>} : memref<128x128xf32, #tpu.memory_space<vmem>>, vector<1x16xf32>,
      %swap3A_112 = vector.shape_cast %swap3A_111 : vector<1x16xf32> to vector<16xf32>
      %swap3A_113 = vector.shape_cast %broadcast_in_dim3A_108 : vector<16xf32> to vector<1x16xf32>
      tpu.vector_store %arg8[%swap3A_109, %swap3A_110], %swap3A_113 {strides = array<i32>} : memref<128x128xf32, #tpu.memory_space<vmem>>, vector<1x16xf32>,
    }
    %scan3A_5 = arith.constant 128 : i32
    %mul3A_6 = arith.constant 640 : i32
    %mul3A_7 = arith.muli %arg1, %mul3A_6 : i32
    %add3A_8 = arith.constant 0 : i32
    %add3A_9 = arith.addi %mul3A_7, %add3A_8 : i32
    "tpu.region"() ({
      %run_scoped3A_59 = tpu.sem_alloc : memref<!tpu.dma_semaphore, #tpu.memory_space<semaphore_mem>>
      %dma_start3A_60 = arith.constant 0 : i32
      %dma_start3A_61 = tpu.memref_slice %arg10[%add3A_9, %dma_start3A_60] : memref<10240x128xf32, #tpu.memory_space<vmem_shared>> -> memref<128x128xf32, #tpu.memory_space<vmem_shared>>
      %dma_start3A_62 = arith.constant 0 : i32
      %dma_start3A_63 = tpu.memref_slice %arg10[%add3A_9, %dma_start3A_62] : memref<10240x128xf32, #tpu.memory_space<vmem_shared>> -> memref<128x128xf32, #tpu.memory_space<vmem_shared>>
      tpu.enqueue_dma source(%arg8 : memref<128x128xf32, #tpu.memory_space<vmem>>) target(%dma_start3A_63 : memref<128x128xf32, #tpu.memory_space<vmem_shared>>) target_semaphore(%run_scoped3A_59 : memref<!tpu.dma_semaphore, #tpu.memory_space<semaphore_mem>>)
      %dma_wait3A = arith.constant 0 : i32
      %dma_wait3A_64 = tpu.memref_slice %arg10[%add3A_9, %dma_wait3A] : memref<10240x128xf32, #tpu.memory_space<vmem_shared>> -> memref<128x128xf32, #tpu.memory_space<vmem_shared>>
      %dma_wait3A_65 = arith.constant 0 : i32
      %dma_wait3A_66 = tpu.memref_slice %arg10[%add3A_9, %dma_wait3A_65] : memref<10240x128xf32, #tpu.memory_space<vmem_shared>> -> memref<128x128xf32, #tpu.memory_space<vmem_shared>>
      tpu.wait_dma2 semaphore(%run_scoped3A_59 : memref<!tpu.dma_semaphore, #tpu.memory_space<semaphore_mem>>) src(%arg8 : memref<128x128xf32, #tpu.memory_space<vmem>>) dst(%dma_wait3A_66 : memref<128x128xf32, #tpu.memory_space<vmem_shared>>)
      tpu.yield
    }) : () -> ()
    %mul3A_10 = arith.constant 640 : i32
    %mul3A_11 = arith.muli %arg1, %mul3A_10 : i32
    %add3A_12 = arith.constant 128 : i32
    %add3A_13 = arith.addi %mul3A_11, %add3A_12 : i32
    "tpu.region"() ({
      %run_scoped3A_59 = tpu.sem_alloc : memref<!tpu.dma_semaphore, #tpu.memory_space<semaphore_mem>>
      %dma_start3A_60 = arith.constant 0 : i32
      %dma_start3A_61 = tpu.memref_slice %arg10[%add3A_13, %dma_start3A_60] : memref<10240x128xf32, #tpu.memory_space<vmem_shared>> -> memref<128x128xf32, #tpu.memory_space<vmem_shared>>
      %dma_start3A_62 = arith.constant 0 : i32
      %dma_start3A_63 = tpu.memref_slice %arg10[%add3A_13, %dma_start3A_62] : memref<10240x128xf32, #tpu.memory_space<vmem_shared>> -> memref<128x128xf32, #tpu.memory_space<vmem_shared>>
      tpu.enqueue_dma source(%arg8 : memref<128x128xf32, #tpu.memory_space<vmem>>) target(%dma_start3A_63 : memref<128x128xf32, #tpu.memory_space<vmem_shared>>) target_semaphore(%run_scoped3A_59 : memref<!tpu.dma_semaphore, #tpu.memory_space<semaphore_mem>>)
      %dma_wait3A = arith.constant 0 : i32
      %dma_wait3A_64 = tpu.memref_slice %arg10[%add3A_13, %dma_wait3A] : memref<10240x128xf32, #tpu.memory_space<vmem_shared>> -> memref<128x128xf32, #tpu.memory_space<vmem_shared>>
      %dma_wait3A_65 = arith.constant 0 : i32
      %dma_wait3A_66 = tpu.memref_slice %arg10[%add3A_13, %dma_wait3A_65] : memref<10240x128xf32, #tpu.memory_space<vmem_shared>> -> memref<128x128xf32, #tpu.memory_space<vmem_shared>>
      tpu.wait_dma2 semaphore(%run_scoped3A_59 : memref<!tpu.dma_semaphore, #tpu.memory_space<semaphore_mem>>) src(%arg8 : memref<128x128xf32, #tpu.memory_space<vmem>>) dst(%dma_wait3A_66 : memref<128x128xf32, #tpu.memory_space<vmem_shared>>)
      tpu.yield
    }) : () -> ()
    %mul3A_14 = arith.constant 640 : i32
    %mul3A_15 = arith.muli %arg1, %mul3A_14 : i32
    %add3A_16 = arith.constant 256 : i32
    %add3A_17 = arith.addi %mul3A_15, %add3A_16 : i32
    "tpu.region"() ({
      %run_scoped3A_59 = tpu.sem_alloc : memref<!tpu.dma_semaphore, #tpu.memory_space<semaphore_mem>>
      %dma_start3A_60 = arith.constant 0 : i32
      %dma_start3A_61 = tpu.memref_slice %arg10[%add3A_17, %dma_start3A_60] : memref<10240x128xf32, #tpu.memory_space<vmem_shared>> -> memref<128x128xf32, #tpu.memory_space<vmem_shared>>
      %dma_start3A_62 = arith.constant 0 : i32
      %dma_start3A_63 = tpu.memref_slice %arg10[%add3A_17, %dma_start3A_62] : memref<10240x128xf32, #tpu.memory_space<vmem_shared>> -> memref<128x128xf32, #tpu.memory_space<vmem_shared>>
      tpu.enqueue_dma source(%arg8 : memref<128x128xf32, #tpu.memory_space<vmem>>) target(%dma_start3A_63 : memref<128x128xf32, #tpu.memory_space<vmem_shared>>) target_semaphore(%run_scoped3A_59 : memref<!tpu.dma_semaphore, #tpu.memory_space<semaphore_mem>>)
      %dma_wait3A = arith.constant 0 : i32
      %dma_wait3A_64 = tpu.memref_slice %arg10[%add3A_17, %dma_wait3A] : memref<10240x128xf32, #tpu.memory_space<vmem_shared>> -> memref<128x128xf32, #tpu.memory_space<vmem_shared>>
      %dma_wait3A_65 = arith.constant 0 : i32
      %dma_wait3A_66 = tpu.memref_slice %arg10[%add3A_17, %dma_wait3A_65] : memref<10240x128xf32, #tpu.memory_space<vmem_shared>> -> memref<128x128xf32, #tpu.memory_space<vmem_shared>>
      tpu.wait_dma2 semaphore(%run_scoped3A_59 : memref<!tpu.dma_semaphore, #tpu.memory_space<semaphore_mem>>) src(%arg8 : memref<128x128xf32, #tpu.memory_space<vmem>>) dst(%dma_wait3A_66 : memref<128x128xf32, #tpu.memory_space<vmem_shared>>)
      tpu.yield
    }) : () -> ()
    %mul3A_18 = arith.constant 640 : i32
    %mul3A_19 = arith.muli %arg1, %mul3A_18 : i32
    %add3A_20 = arith.constant 384 : i32
    %add3A_21 = arith.addi %mul3A_19, %add3A_20 : i32
    "tpu.region"() ({
      %run_scoped3A_59 = tpu.sem_alloc : memref<!tpu.dma_semaphore, #tpu.memory_space<semaphore_mem>>
      %dma_start3A_60 = arith.constant 0 : i32
      %dma_start3A_61 = tpu.memref_slice %arg10[%add3A_21, %dma_start3A_60] : memref<10240x128xf32, #tpu.memory_space<vmem_shared>> -> memref<128x128xf32, #tpu.memory_space<vmem_shared>>
      %dma_start3A_62 = arith.constant 0 : i32
      %dma_start3A_63 = tpu.memref_slice %arg10[%add3A_21, %dma_start3A_62] : memref<10240x128xf32, #tpu.memory_space<vmem_shared>> -> memref<128x128xf32, #tpu.memory_space<vmem_shared>>
      tpu.enqueue_dma source(%arg8 : memref<128x128xf32, #tpu.memory_space<vmem>>) target(%dma_start3A_63 : memref<128x128xf32, #tpu.memory_space<vmem_shared>>) target_semaphore(%run_scoped3A_59 : memref<!tpu.dma_semaphore, #tpu.memory_space<semaphore_mem>>)
      %dma_wait3A = arith.constant 0 : i32
      %dma_wait3A_64 = tpu.memref_slice %arg10[%add3A_21, %dma_wait3A] : memref<10240x128xf32, #tpu.memory_space<vmem_shared>> -> memref<128x128xf32, #tpu.memory_space<vmem_shared>>
      %dma_wait3A_65 = arith.constant 0 : i32
      %dma_wait3A_66 = tpu.memref_slice %arg10[%add3A_21, %dma_wait3A_65] : memref<10240x128xf32, #tpu.memory_space<vmem_shared>> -> memref<128x128xf32, #tpu.memory_space<vmem_shared>>
      tpu.wait_dma2 semaphore(%run_scoped3A_59 : memref<!tpu.dma_semaphore, #tpu.memory_space<semaphore_mem>>) src(%arg8 : memref<128x128xf32, #tpu.memory_space<vmem>>) dst(%dma_wait3A_66 : memref<128x128xf32, #tpu.memory_space<vmem_shared>>)
      tpu.yield
    }) : () -> ()
    %mul3A_22 = arith.constant 640 : i32
    %mul3A_23 = arith.muli %arg1, %mul3A_22 : i32
    %add3A_24 = arith.constant 512 : i32
    %add3A_25 = arith.addi %mul3A_23, %add3A_24 : i32
    "tpu.region"() ({
      %run_scoped3A_59 = tpu.sem_alloc : memref<!tpu.dma_semaphore, #tpu.memory_space<semaphore_mem>>
      %dma_start3A_60 = arith.constant 0 : i32
      %dma_start3A_61 = tpu.memref_slice %arg10[%add3A_25, %dma_start3A_60] : memref<10240x128xf32, #tpu.memory_space<vmem_shared>> -> memref<128x128xf32, #tpu.memory_space<vmem_shared>>
      %dma_start3A_62 = arith.constant 0 : i32
      %dma_start3A_63 = tpu.memref_slice %arg10[%add3A_25, %dma_start3A_62] : memref<10240x128xf32, #tpu.memory_space<vmem_shared>> -> memref<128x128xf32, #tpu.memory_space<vmem_shared>>
      tpu.enqueue_dma source(%arg8 : memref<128x128xf32, #tpu.memory_space<vmem>>) target(%dma_start3A_63 : memref<128x128xf32, #tpu.memory_space<vmem_shared>>) target_semaphore(%run_scoped3A_59 : memref<!tpu.dma_semaphore, #tpu.memory_space<semaphore_mem>>)
      %dma_wait3A = arith.constant 0 : i32
      %dma_wait3A_64 = tpu.memref_slice %arg10[%add3A_25, %dma_wait3A] : memref<10240x128xf32, #tpu.memory_space<vmem_shared>> -> memref<128x128xf32, #tpu.memory_space<vmem_shared>>
      %dma_wait3A_65 = arith.constant 0 : i32
      %dma_wait3A_66 = tpu.memref_slice %arg10[%add3A_25, %dma_wait3A_65] : memref<10240x128xf32, #tpu.memory_space<vmem_shared>> -> memref<128x128xf32, #tpu.memory_space<vmem_shared>>
      tpu.wait_dma2 semaphore(%run_scoped3A_59 : memref<!tpu.dma_semaphore, #tpu.memory_space<semaphore_mem>>) src(%arg8 : memref<128x128xf32, #tpu.memory_space<vmem>>) dst(%dma_wait3A_66 : memref<128x128xf32, #tpu.memory_space<vmem_shared>>)
      tpu.yield
    }) : () -> ()
    %barrier3A = arith.constant 0 : index
    tpu.barrier barrier_id(%barrier3A)
    %run_scoped3A = arith.constant 0 : i32
    "tpu.region"() ({
      %run_scoped3A_59 = tpu.sem_alloc : memref<!tpu.dma_semaphore, #tpu.memory_space<semaphore_mem>>
      %dma_start3A_60 = arith.constant 0 : i32
      %dma_start3A_61 = arith.constant 0 : i32
      %dma_start3A_62 = tpu.memref_slice %arg2[%add3A, %run_scoped3A, %dma_start3A_60, %dma_start3A_61] : memref<32x2x40x128xi32, #tpu.memory_space<hbm>> -> memref<1x1x40x128xi32, #tpu.memory_space<hbm>>
      %dma_start3A_63 = tpu.memref_squeeze %dma_start3A_62 : memref<1x1x40x128xi32, #tpu.memory_space<hbm>> -> memref<40x128xi32, #tpu.memory_space<hbm>>
      %dma_start3A_64 = arith.constant 0 : i32
      %dma_start3A_65 = arith.constant 0 : i32
      %dma_start3A_66 = tpu.memref_slice %arg2[%add3A, %run_scoped3A, %dma_start3A_64, %dma_start3A_65] : memref<32x2x40x128xi32, #tpu.memory_space<hbm>> -> memref<1x1x40x128xi32, #tpu.memory_space<hbm>>
      %dma_start3A_67 = tpu.memref_squeeze %dma_start3A_66 : memref<1x1x40x128xi32, #tpu.memory_space<hbm>> -> memref<40x128xi32, #tpu.memory_space<hbm>>
      tpu.enqueue_dma source(%dma_start3A_67 : memref<40x128xi32, #tpu.memory_space<hbm>>) target(%arg6 : memref<40x128xi32, #tpu.memory_space<vmem>>) target_semaphore(%run_scoped3A_59 : memref<!tpu.dma_semaphore, #tpu.memory_space<semaphore_mem>>)
      %dma_wait3A = arith.constant 0 : i32
      %dma_wait3A_68 = arith.constant 0 : i32
      %dma_wait3A_69 = tpu.memref_slice %arg2[%add3A, %run_scoped3A, %dma_wait3A, %dma_wait3A_68] : memref<32x2x40x128xi32, #tpu.memory_space<hbm>> -> memref<1x1x40x128xi32, #tpu.memory_space<hbm>>
      %dma_wait3A_70 = tpu.memref_squeeze %dma_wait3A_69 : memref<1x1x40x128xi32, #tpu.memory_space<hbm>> -> memref<40x128xi32, #tpu.memory_space<hbm>>
      %dma_wait3A_71 = arith.constant 0 : i32
      %dma_wait3A_72 = arith.constant 0 : i32
      %dma_wait3A_73 = tpu.memref_slice %arg2[%add3A, %run_scoped3A, %dma_wait3A_71, %dma_wait3A_72] : memref<32x2x40x128xi32, #tpu.memory_space<hbm>> -> memref<1x1x40x128xi32, #tpu.memory_space<hbm>>
      %dma_wait3A_74 = tpu.memref_squeeze %dma_wait3A_73 : memref<1x1x40x128xi32, #tpu.memory_space<hbm>> -> memref<40x128xi32, #tpu.memory_space<hbm>>
      tpu.wait_dma2 semaphore(%run_scoped3A_59 : memref<!tpu.dma_semaphore, #tpu.memory_space<semaphore_mem>>) src(%dma_wait3A_74 : memref<40x128xi32, #tpu.memory_space<hbm>>) dst(%arg6 : memref<40x128xi32, #tpu.memory_space<vmem>>)
      tpu.yield
    }) : () -> ()
    %run_scoped3A_26 = arith.constant 0 : i32
    "tpu.region"() ({
      %run_scoped3A_59 = tpu.sem_alloc : memref<!tpu.dma_semaphore, #tpu.memory_space<semaphore_mem>>
      %dma_start3A_60 = arith.constant 0 : i32
      %dma_start3A_61 = arith.constant 0 : i32
      %dma_start3A_62 = tpu.memref_slice %arg3[%add3A, %run_scoped3A_26, %dma_start3A_60, %dma_start3A_61] : memref<32x2x40x128xi32, #tpu.memory_space<hbm>> -> memref<1x1x40x128xi32, #tpu.memory_space<hbm>>
      %dma_start3A_63 = tpu.memref_squeeze %dma_start3A_62 : memref<1x1x40x128xi32, #tpu.memory_space<hbm>> -> memref<40x128xi32, #tpu.memory_space<hbm>>
      %dma_start3A_64 = arith.constant 0 : i32
      %dma_start3A_65 = arith.constant 0 : i32
      %dma_start3A_66 = tpu.memref_slice %arg3[%add3A, %run_scoped3A_26, %dma_start3A_64, %dma_start3A_65] : memref<32x2x40x128xi32, #tpu.memory_space<hbm>> -> memref<1x1x40x128xi32, #tpu.memory_space<hbm>>
      %dma_start3A_67 = tpu.memref_squeeze %dma_start3A_66 : memref<1x1x40x128xi32, #tpu.memory_space<hbm>> -> memref<40x128xi32, #tpu.memory_space<hbm>>
      tpu.enqueue_dma source(%dma_start3A_67 : memref<40x128xi32, #tpu.memory_space<hbm>>) target(%arg7 : memref<40x128xi32, #tpu.memory_space<vmem>>) target_semaphore(%run_scoped3A_59 : memref<!tpu.dma_semaphore, #tpu.memory_space<semaphore_mem>>)
      %dma_wait3A = arith.constant 0 : i32
      %dma_wait3A_68 = arith.constant 0 : i32
      %dma_wait3A_69 = tpu.memref_slice %arg3[%add3A, %run_scoped3A_26, %dma_wait3A, %dma_wait3A_68] : memref<32x2x40x128xi32, #tpu.memory_space<hbm>> -> memref<1x1x40x128xi32, #tpu.memory_space<hbm>>
      %dma_wait3A_70 = tpu.memref_squeeze %dma_wait3A_69 : memref<1x1x40x128xi32, #tpu.memory_space<hbm>> -> memref<40x128xi32, #tpu.memory_space<hbm>>
      %dma_wait3A_71 = arith.constant 0 : i32
      %dma_wait3A_72 = arith.constant 0 : i32
      %dma_wait3A_73 = tpu.memref_slice %arg3[%add3A, %run_scoped3A_26, %dma_wait3A_71, %dma_wait3A_72] : memref<32x2x40x128xi32, #tpu.memory_space<hbm>> -> memref<1x1x40x128xi32, #tpu.memory_space<hbm>>
      %dma_wait3A_74 = tpu.memref_squeeze %dma_wait3A_73 : memref<1x1x40x128xi32, #tpu.memory_space<hbm>> -> memref<40x128xi32, #tpu.memory_space<hbm>>
      tpu.wait_dma2 semaphore(%run_scoped3A_59 : memref<!tpu.dma_semaphore, #tpu.memory_space<semaphore_mem>>) src(%dma_wait3A_74 : memref<40x128xi32, #tpu.memory_space<hbm>>) dst(%arg7 : memref<40x128xi32, #tpu.memory_space<vmem>>)
      tpu.yield
    }) : () -> ()
    %dma_start3A = arith.constant 0 : i32
    %dma_start3A_27 = arith.constant 0 : i32
    %dma_start3A_28 = tpu.memref_slice %arg6[%dma_start3A, %dma_start3A_27] : memref<40x128xi32, #tpu.memory_space<vmem>> -> memref<1x128xi32, #tpu.memory_space<vmem>>
    %dma_start3A_29 = tpu.memref_squeeze %dma_start3A_28 : memref<1x128xi32, #tpu.memory_space<vmem>> -> memref<128xi32, #tpu.memory_space<vmem>>
    %dma_start3A_30 = arith.constant 0 : i32
    %dma_start3A_31 = arith.constant 0 : i32
    %dma_start3A_32 = tpu.memref_slice %arg4[%dma_start3A_30, %dma_start3A_31] : memref<10240x128xf32, #tpu.memory_space<hbm>> -> memref<10240x128xf32, #tpu.memory_space<hbm>>
    tpu.enqueue_indirect_dma source(%dma_start3A_32 : memref<10240x128xf32, #tpu.memory_space<hbm>>) target(%arg8 : memref<128x128xf32, #tpu.memory_space<vmem>>) offsets(%dma_start3A_29 : memref<128xi32, #tpu.memory_space<vmem>>) semaphore(%arg11 : memref<!tpu.dma_semaphore, #tpu.memory_space<semaphore_mem>>)
    %scan3A_33 = arith.constant 0 : i32
    %scan3A_34 = arith.constant 0 : i32
    %scan3A_35 = arith.constant 20 : i32
    %scan3A_36 = arith.addi %scan3A_34, %scan3A_35 : i32
    %scan3A_37 = arith.constant 1 : i32
    scf.for %scan3A_59 = %scan3A_34 to %scan3A_36 step %scan3A_37  : i32 {
      %mul3A_60 = arith.constant 2 : i32
      %mul3A_61 = arith.muli %mul3A_60, %scan3A_59 : i32
      %add3A_62 = arith.constant 1 : i32
      %add3A_63 = arith.addi %mul3A_61, %add3A_62 : i32
      %add3A_64 = arith.constant 2 : i32
      %add3A_65 = arith.addi %mul3A_61, %add3A_64 : i32
      %dma_start3A_66 = arith.constant 0 : i32
      %dma_start3A_67 = tpu.memref_slice %arg6[%add3A_63, %dma_start3A_66] : memref<40x128xi32, #tpu.memory_space<vmem>> -> memref<1x128xi32, #tpu.memory_space<vmem>>
      %dma_start3A_68 = tpu.memref_squeeze %dma_start3A_67 : memref<1x128xi32, #tpu.memory_space<vmem>> -> memref<128xi32, #tpu.memory_space<vmem>>
      %dma_start3A_69 = arith.constant 0 : i32
      %dma_start3A_70 = arith.constant 0 : i32
      %dma_start3A_71 = tpu.memref_slice %arg4[%dma_start3A_69, %dma_start3A_70] : memref<10240x128xf32, #tpu.memory_space<hbm>> -> memref<10240x128xf32, #tpu.memory_space<hbm>>
      tpu.enqueue_indirect_dma source(%dma_start3A_71 : memref<10240x128xf32, #tpu.memory_space<hbm>>) target(%arg9 : memref<128x128xf32, #tpu.memory_space<vmem>>) offsets(%dma_start3A_68 : memref<128xi32, #tpu.memory_space<vmem>>) semaphore(%arg12 : memref<!tpu.dma_semaphore, #tpu.memory_space<semaphore_mem>>)
      %dma_wait3A = arith.constant 0 : i32
      %dma_wait3A_72 = tpu.memref_slice %arg6[%mul3A_61, %dma_wait3A] : memref<40x128xi32, #tpu.memory_space<vmem>> -> memref<1x128xi32, #tpu.memory_space<vmem>>
      %dma_wait3A_73 = tpu.memref_squeeze %dma_wait3A_72 : memref<1x128xi32, #tpu.memory_space<vmem>> -> memref<128xi32, #tpu.memory_space<vmem>>
      %dma_wait3A_74 = arith.constant 0 : i32
      %dma_wait3A_75 = arith.constant 0 : i32
      %dma_wait3A_76 = tpu.memref_slice %arg4[%dma_wait3A_74, %dma_wait3A_75] : memref<10240x128xf32, #tpu.memory_space<hbm>> -> memref<10240x128xf32, #tpu.memory_space<hbm>>
      tpu.wait_indirect_dma semaphore(%arg11 : memref<!tpu.dma_semaphore, #tpu.memory_space<semaphore_mem>>) src(%dma_wait3A_76 : memref<10240x128xf32, #tpu.memory_space<hbm>>) dst(%arg8 : memref<128x128xf32, #tpu.memory_space<vmem>>)
      "tpu.region"() ({
        %run_scoped3A_85 = tpu.sem_alloc : memref<!tpu.dma_semaphore, #tpu.memory_space<semaphore_mem>>
        %dma_start3A_86 = arith.constant 0 : i32
        %dma_start3A_87 = tpu.memref_slice %arg7[%mul3A_61, %dma_start3A_86] : memref<40x128xi32, #tpu.memory_space<vmem>> -> memref<1x128xi32, #tpu.memory_space<vmem>>
        %dma_start3A_88 = tpu.memref_squeeze %dma_start3A_87 : memref<1x128xi32, #tpu.memory_space<vmem>> -> memref<128xi32, #tpu.memory_space<vmem>>
        %dma_start3A_89 = arith.constant 0 : i32
        %dma_start3A_90 = arith.constant 0 : i32
        %dma_start3A_91 = tpu.memref_slice %arg10[%dma_start3A_89, %dma_start3A_90] : memref<10240x128xf32, #tpu.memory_space<vmem_shared>> -> memref<10240x128xf32, #tpu.memory_space<vmem_shared>>
        tpu.enqueue_indirect_dma source(%arg8 : memref<128x128xf32, #tpu.memory_space<vmem>>) target(%dma_start3A_91 : memref<10240x128xf32, #tpu.memory_space<vmem_shared>>) offsets(%dma_start3A_88 : memref<128xi32, #tpu.memory_space<vmem>>) semaphore(%run_scoped3A_85 : memref<!tpu.dma_semaphore, #tpu.memory_space<semaphore_mem>>) {add = true}
        %dma_wait3A_92 = arith.constant 0 : i32
        %dma_wait3A_93 = tpu.memref_slice %arg7[%mul3A_61, %dma_wait3A_92] : memref<40x128xi32, #tpu.memory_space<vmem>> -> memref<1x128xi32, #tpu.memory_space<vmem>>
        %dma_wait3A_94 = tpu.memref_squeeze %dma_wait3A_93 : memref<1x128xi32, #tpu.memory_space<vmem>> -> memref<128xi32, #tpu.memory_space<vmem>>
        %dma_wait3A_95 = arith.constant 0 : i32
        %dma_wait3A_96 = arith.constant 0 : i32
        %dma_wait3A_97 = tpu.memref_slice %arg10[%dma_wait3A_95, %dma_wait3A_96] : memref<10240x128xf32, #tpu.memory_space<vmem_shared>> -> memref<10240x128xf32, #tpu.memory_space<vmem_shared>>
        tpu.wait_indirect_dma semaphore(%run_scoped3A_85 : memref<!tpu.dma_semaphore, #tpu.memory_space<semaphore_mem>>) src(%arg8 : memref<128x128xf32, #tpu.memory_space<vmem>>) dst(%dma_wait3A_97 : memref<10240x128xf32, #tpu.memory_space<vmem_shared>>)
        tpu.yield
      }) : () -> ()
      %lt3A = arith.constant 40 : i32
      %lt3A_77 = arith.cmpi slt, %add3A_65, %lt3A : i32
      %convert_element_type3A = arith.extui %lt3A_77 : i1 to i32
      %cond3A = arith.constant 0 : i32
      %cond3A_78 = arith.cmpi ne, %convert_element_type3A, %cond3A : i32
      scf.if %cond3A_78 {
        %dma_start3A_85 = arith.constant 0 : i32
        %dma_start3A_86 = tpu.memref_slice %arg6[%add3A_65, %dma_start3A_85] : memref<40x128xi32, #tpu.memory_space<vmem>> -> memref<1x128xi32, #tpu.memory_space<vmem>>
        %dma_start3A_87 = tpu.memref_squeeze %dma_start3A_86 : memref<1x128xi32, #tpu.memory_space<vmem>> -> memref<128xi32, #tpu.memory_space<vmem>>
        %dma_start3A_88 = arith.constant 0 : i32
        %dma_start3A_89 = arith.constant 0 : i32
        %dma_start3A_90 = tpu.memref_slice %arg4[%dma_start3A_88, %dma_start3A_89] : memref<10240x128xf32, #tpu.memory_space<hbm>> -> memref<10240x128xf32, #tpu.memory_space<hbm>>
        tpu.enqueue_indirect_dma source(%dma_start3A_90 : memref<10240x128xf32, #tpu.memory_space<hbm>>) target(%arg8 : memref<128x128xf32, #tpu.memory_space<vmem>>) offsets(%dma_start3A_87 : memref<128xi32, #tpu.memory_space<vmem>>) semaphore(%arg11 : memref<!tpu.dma_semaphore, #tpu.memory_space<semaphore_mem>>)
      } else {
      }
      %dma_wait3A_79 = arith.constant 0 : i32
      %dma_wait3A_80 = tpu.memref_slice %arg6[%add3A_63, %dma_wait3A_79] : memref<40x128xi32, #tpu.memory_space<vmem>> -> memref<1x128xi32, #tpu.memory_space<vmem>>
      %dma_wait3A_81 = tpu.memref_squeeze %dma_wait3A_80 : memref<1x128xi32, #tpu.memory_space<vmem>> -> memref<128xi32, #tpu.memory_space<vmem>>
      %dma_wait3A_82 = arith.constant 0 : i32
      %dma_wait3A_83 = arith.constant 0 : i32
      %dma_wait3A_84 = tpu.memref_slice %arg4[%dma_wait3A_82, %dma_wait3A_83] : memref<10240x128xf32, #tpu.memory_space<hbm>> -> memref<10240x128xf32, #tpu.memory_space<hbm>>
      tpu.wait_indirect_dma semaphore(%arg12 : memref<!tpu.dma_semaphore, #tpu.memory_space<semaphore_mem>>) src(%dma_wait3A_84 : memref<10240x128xf32, #tpu.memory_space<hbm>>) dst(%arg9 : memref<128x128xf32, #tpu.memory_space<vmem>>)
      "tpu.region"() ({
        %run_scoped3A_85 = tpu.sem_alloc : memref<!tpu.dma_semaphore, #tpu.memory_space<semaphore_mem>>
        %dma_start3A_86 = arith.constant 0 : i32
        %dma_start3A_87 = tpu.memref_slice %arg7[%add3A_63, %dma_start3A_86] : memref<40x128xi32, #tpu.memory_space<vmem>> -> memref<1x128xi32, #tpu.memory_space<vmem>>
        %dma_start3A_88 = tpu.memref_squeeze %dma_start3A_87 : memref<1x128xi32, #tpu.memory_space<vmem>> -> memref<128xi32, #tpu.memory_space<vmem>>
        %dma_start3A_89 = arith.constant 0 : i32
        %dma_start3A_90 = arith.constant 0 : i32
        %dma_start3A_91 = tpu.memref_slice %arg10[%dma_start3A_89, %dma_start3A_90] : memref<10240x128xf32, #tpu.memory_space<vmem_shared>> -> memref<10240x128xf32, #tpu.memory_space<vmem_shared>>
        tpu.enqueue_indirect_dma source(%arg9 : memref<128x128xf32, #tpu.memory_space<vmem>>) target(%dma_start3A_91 : memref<10240x128xf32, #tpu.memory_space<vmem_shared>>) offsets(%dma_start3A_88 : memref<128xi32, #tpu.memory_space<vmem>>) semaphore(%run_scoped3A_85 : memref<!tpu.dma_semaphore, #tpu.memory_space<semaphore_mem>>) {add = true}
        %dma_wait3A_92 = arith.constant 0 : i32
        %dma_wait3A_93 = tpu.memref_slice %arg7[%add3A_63, %dma_wait3A_92] : memref<40x128xi32, #tpu.memory_space<vmem>> -> memref<1x128xi32, #tpu.memory_space<vmem>>
        %dma_wait3A_94 = tpu.memref_squeeze %dma_wait3A_93 : memref<1x128xi32, #tpu.memory_space<vmem>> -> memref<128xi32, #tpu.memory_space<vmem>>
        %dma_wait3A_95 = arith.constant 0 : i32
        %dma_wait3A_96 = arith.constant 0 : i32
        %dma_wait3A_97 = tpu.memref_slice %arg10[%dma_wait3A_95, %dma_wait3A_96] : memref<10240x128xf32, #tpu.memory_space<vmem_shared>> -> memref<10240x128xf32, #tpu.memory_space<vmem_shared>>
        tpu.wait_indirect_dma semaphore(%run_scoped3A_85 : memref<!tpu.dma_semaphore, #tpu.memory_space<semaphore_mem>>) src(%arg9 : memref<128x128xf32, #tpu.memory_space<vmem>>) dst(%dma_wait3A_97 : memref<10240x128xf32, #tpu.memory_space<vmem_shared>>)
        tpu.yield
      }) : () -> ()
    }
    %scan3A_38 = arith.constant 20 : i32
    %run_scoped3A_39 = arith.constant 1 : i32
    "tpu.region"() ({
      %run_scoped3A_59 = tpu.sem_alloc : memref<!tpu.dma_semaphore, #tpu.memory_space<semaphore_mem>>
      %dma_start3A_60 = arith.constant 0 : i32
      %dma_start3A_61 = arith.constant 0 : i32
      %dma_start3A_62 = tpu.memref_slice %arg2[%add3A, %run_scoped3A_39, %dma_start3A_60, %dma_start3A_61] : memref<32x2x40x128xi32, #tpu.memory_space<hbm>> -> memref<1x1x40x128xi32, #tpu.memory_space<hbm>>
      %dma_start3A_63 = tpu.memref_squeeze %dma_start3A_62 : memref<1x1x40x128xi32, #tpu.memory_space<hbm>> -> memref<40x128xi32, #tpu.memory_space<hbm>>
      %dma_start3A_64 = arith.constant 0 : i32
      %dma_start3A_65 = arith.constant 0 : i32
      %dma_start3A_66 = tpu.memref_slice %arg2[%add3A, %run_scoped3A_39, %dma_start3A_64, %dma_start3A_65] : memref<32x2x40x128xi32, #tpu.memory_space<hbm>> -> memref<1x1x40x128xi32, #tpu.memory_space<hbm>>
      %dma_start3A_67 = tpu.memref_squeeze %dma_start3A_66 : memref<1x1x40x128xi32, #tpu.memory_space<hbm>> -> memref<40x128xi32, #tpu.memory_space<hbm>>
      tpu.enqueue_dma source(%dma_start3A_67 : memref<40x128xi32, #tpu.memory_space<hbm>>) target(%arg6 : memref<40x128xi32, #tpu.memory_space<vmem>>) target_semaphore(%run_scoped3A_59 : memref<!tpu.dma_semaphore, #tpu.memory_space<semaphore_mem>>)
      %dma_wait3A = arith.constant 0 : i32
      %dma_wait3A_68 = arith.constant 0 : i32
      %dma_wait3A_69 = tpu.memref_slice %arg2[%add3A, %run_scoped3A_39, %dma_wait3A, %dma_wait3A_68] : memref<32x2x40x128xi32, #tpu.memory_space<hbm>> -> memref<1x1x40x128xi32, #tpu.memory_space<hbm>>
      %dma_wait3A_70 = tpu.memref_squeeze %dma_wait3A_69 : memref<1x1x40x128xi32, #tpu.memory_space<hbm>> -> memref<40x128xi32, #tpu.memory_space<hbm>>
      %dma_wait3A_71 = arith.constant 0 : i32
      %dma_wait3A_72 = arith.constant 0 : i32
      %dma_wait3A_73 = tpu.memref_slice %arg2[%add3A, %run_scoped3A_39, %dma_wait3A_71, %dma_wait3A_72] : memref<32x2x40x128xi32, #tpu.memory_space<hbm>> -> memref<1x1x40x128xi32, #tpu.memory_space<hbm>>
      %dma_wait3A_74 = tpu.memref_squeeze %dma_wait3A_73 : memref<1x1x40x128xi32, #tpu.memory_space<hbm>> -> memref<40x128xi32, #tpu.memory_space<hbm>>
      tpu.wait_dma2 semaphore(%run_scoped3A_59 : memref<!tpu.dma_semaphore, #tpu.memory_space<semaphore_mem>>) src(%dma_wait3A_74 : memref<40x128xi32, #tpu.memory_space<hbm>>) dst(%arg6 : memref<40x128xi32, #tpu.memory_space<vmem>>)
      tpu.yield
    }) : () -> ()
    %run_scoped3A_40 = arith.constant 1 : i32
    "tpu.region"() ({
      %run_scoped3A_59 = tpu.sem_alloc : memref<!tpu.dma_semaphore, #tpu.memory_space<semaphore_mem>>
      %dma_start3A_60 = arith.constant 0 : i32
      %dma_start3A_61 = arith.constant 0 : i32
      %dma_start3A_62 = tpu.memref_slice %arg3[%add3A, %run_scoped3A_40, %dma_start3A_60, %dma_start3A_61] : memref<32x2x40x128xi32, #tpu.memory_space<hbm>> -> memref<1x1x40x128xi32, #tpu.memory_space<hbm>>
      %dma_start3A_63 = tpu.memref_squeeze %dma_start3A_62 : memref<1x1x40x128xi32, #tpu.memory_space<hbm>> -> memref<40x128xi32, #tpu.memory_space<hbm>>
      %dma_start3A_64 = arith.constant 0 : i32
      %dma_start3A_65 = arith.constant 0 : i32
      %dma_start3A_66 = tpu.memref_slice %arg3[%add3A, %run_scoped3A_40, %dma_start3A_64, %dma_start3A_65] : memref<32x2x40x128xi32, #tpu.memory_space<hbm>> -> memref<1x1x40x128xi32, #tpu.memory_space<hbm>>
      %dma_start3A_67 = tpu.memref_squeeze %dma_start3A_66 : memref<1x1x40x128xi32, #tpu.memory_space<hbm>> -> memref<40x128xi32, #tpu.memory_space<hbm>>
      tpu.enqueue_dma source(%dma_start3A_67 : memref<40x128xi32, #tpu.memory_space<hbm>>) target(%arg7 : memref<40x128xi32, #tpu.memory_space<vmem>>) target_semaphore(%run_scoped3A_59 : memref<!tpu.dma_semaphore, #tpu.memory_space<semaphore_mem>>)
      %dma_wait3A = arith.constant 0 : i32
      %dma_wait3A_68 = arith.constant 0 : i32
      %dma_wait3A_69 = tpu.memref_slice %arg3[%add3A, %run_scoped3A_40, %dma_wait3A, %dma_wait3A_68] : memref<32x2x40x128xi32, #tpu.memory_space<hbm>> -> memref<1x1x40x128xi32, #tpu.memory_space<hbm>>
      %dma_wait3A_70 = tpu.memref_squeeze %dma_wait3A_69 : memref<1x1x40x128xi32, #tpu.memory_space<hbm>> -> memref<40x128xi32, #tpu.memory_space<hbm>>
      %dma_wait3A_71 = arith.constant 0 : i32
      %dma_wait3A_72 = arith.constant 0 : i32
      %dma_wait3A_73 = tpu.memref_slice %arg3[%add3A, %run_scoped3A_40, %dma_wait3A_71, %dma_wait3A_72] : memref<32x2x40x128xi32, #tpu.memory_space<hbm>> -> memref<1x1x40x128xi32, #tpu.memory_space<hbm>>
      %dma_wait3A_74 = tpu.memref_squeeze %dma_wait3A_73 : memref<1x1x40x128xi32, #tpu.memory_space<hbm>> -> memref<40x128xi32, #tpu.memory_space<hbm>>
      tpu.wait_dma2 semaphore(%run_scoped3A_59 : memref<!tpu.dma_semaphore, #tpu.memory_space<semaphore_mem>>) src(%dma_wait3A_74 : memref<40x128xi32, #tpu.memory_space<hbm>>) dst(%arg7 : memref<40x128xi32, #tpu.memory_space<vmem>>)
      tpu.yield
    }) : () -> ()
    %dma_start3A_41 = arith.constant 0 : i32
    %dma_start3A_42 = arith.constant 0 : i32
    %dma_start3A_43 = tpu.memref_slice %arg6[%dma_start3A_41, %dma_start3A_42] : memref<40x128xi32, #tpu.memory_space<vmem>> -> memref<1x128xi32, #tpu.memory_space<vmem>>
    %dma_start3A_44 = tpu.memref_squeeze %dma_start3A_43 : memref<1x128xi32, #tpu.memory_space<vmem>> -> memref<128xi32, #tpu.memory_space<vmem>>
    %dma_start3A_45 = arith.constant 0 : i32
    %dma_start3A_46 = arith.constant 0 : i32
    %dma_start3A_47 = tpu.memref_slice %arg4[%dma_start3A_45, %dma_start3A_46] : memref<10240x128xf32, #tpu.memory_space<hbm>> -> memref<10240x128xf32, #tpu.memory_space<hbm>>
    tpu.enqueue_indirect_dma source(%dma_start3A_47 : memref<10240x128xf32, #tpu.memory_space<hbm>>) target(%arg8 : memref<128x128xf32, #tpu.memory_space<vmem>>) offsets(%dma_start3A_44 : memref<128xi32, #tpu.memory_space<vmem>>) semaphore(%arg11 : memref<!tpu.dma_semaphore, #tpu.memory_space<semaphore_mem>>)
    %scan3A_48 = arith.constant 0 : i32
    %scan3A_49 = arith.constant 0 : i32
    %scan3A_50 = arith.constant 20 : i32
    %scan3A_51 = arith.addi %scan3A_49, %scan3A_50 : i32
    %scan3A_52 = arith.constant 1 : i32
    scf.for %scan3A_59 = %scan3A_49 to %scan3A_51 step %scan3A_52  : i32 {
      %mul3A_60 = arith.constant 2 : i32
      %mul3A_61 = arith.muli %mul3A_60, %scan3A_59 : i32
      %add3A_62 = arith.constant 1 : i32
      %add3A_63 = arith.addi %mul3A_61, %add3A_62 : i32
      %add3A_64 = arith.constant 2 : i32
      %add3A_65 = arith.addi %mul3A_61, %add3A_64 : i32
      %dma_start3A_66 = arith.constant 0 : i32
      %dma_start3A_67 = tpu.memref_slice %arg6[%add3A_63, %dma_start3A_66] : memref<40x128xi32, #tpu.memory_space<vmem>> -> memref<1x128xi32, #tpu.memory_space<vmem>>
      %dma_start3A_68 = tpu.memref_squeeze %dma_start3A_67 : memref<1x128xi32, #tpu.memory_space<vmem>> -> memref<128xi32, #tpu.memory_space<vmem>>
      %dma_start3A_69 = arith.constant 0 : i32
      %dma_start3A_70 = arith.constant 0 : i32
      %dma_start3A_71 = tpu.memref_slice %arg4[%dma_start3A_69, %dma_start3A_70] : memref<10240x128xf32, #tpu.memory_space<hbm>> -> memref<10240x128xf32, #tpu.memory_space<hbm>>
      tpu.enqueue_indirect_dma source(%dma_start3A_71 : memref<10240x128xf32, #tpu.memory_space<hbm>>) target(%arg9 : memref<128x128xf32, #tpu.memory_space<vmem>>) offsets(%dma_start3A_68 : memref<128xi32, #tpu.memory_space<vmem>>) semaphore(%arg12 : memref<!tpu.dma_semaphore, #tpu.memory_space<semaphore_mem>>)
      %dma_wait3A = arith.constant 0 : i32
      %dma_wait3A_72 = tpu.memref_slice %arg6[%mul3A_61, %dma_wait3A] : memref<40x128xi32, #tpu.memory_space<vmem>> -> memref<1x128xi32, #tpu.memory_space<vmem>>
      %dma_wait3A_73 = tpu.memref_squeeze %dma_wait3A_72 : memref<1x128xi32, #tpu.memory_space<vmem>> -> memref<128xi32, #tpu.memory_space<vmem>>
      %dma_wait3A_74 = arith.constant 0 : i32
      %dma_wait3A_75 = arith.constant 0 : i32
      %dma_wait3A_76 = tpu.memref_slice %arg4[%dma_wait3A_74, %dma_wait3A_75] : memref<10240x128xf32, #tpu.memory_space<hbm>> -> memref<10240x128xf32, #tpu.memory_space<hbm>>
      tpu.wait_indirect_dma semaphore(%arg11 : memref<!tpu.dma_semaphore, #tpu.memory_space<semaphore_mem>>) src(%dma_wait3A_76 : memref<10240x128xf32, #tpu.memory_space<hbm>>) dst(%arg8 : memref<128x128xf32, #tpu.memory_space<vmem>>)
      "tpu.region"() ({
        %run_scoped3A_85 = tpu.sem_alloc : memref<!tpu.dma_semaphore, #tpu.memory_space<semaphore_mem>>
        %dma_start3A_86 = arith.constant 0 : i32
        %dma_start3A_87 = tpu.memref_slice %arg7[%mul3A_61, %dma_start3A_86] : memref<40x128xi32, #tpu.memory_space<vmem>> -> memref<1x128xi32, #tpu.memory_space<vmem>>
        %dma_start3A_88 = tpu.memref_squeeze %dma_start3A_87 : memref<1x128xi32, #tpu.memory_space<vmem>> -> memref<128xi32, #tpu.memory_space<vmem>>
        %dma_start3A_89 = arith.constant 0 : i32
        %dma_start3A_90 = arith.constant 0 : i32
        %dma_start3A_91 = tpu.memref_slice %arg10[%dma_start3A_89, %dma_start3A_90] : memref<10240x128xf32, #tpu.memory_space<vmem_shared>> -> memref<10240x128xf32, #tpu.memory_space<vmem_shared>>
        tpu.enqueue_indirect_dma source(%arg8 : memref<128x128xf32, #tpu.memory_space<vmem>>) target(%dma_start3A_91 : memref<10240x128xf32, #tpu.memory_space<vmem_shared>>) offsets(%dma_start3A_88 : memref<128xi32, #tpu.memory_space<vmem>>) semaphore(%run_scoped3A_85 : memref<!tpu.dma_semaphore, #tpu.memory_space<semaphore_mem>>) {add = true}
        %dma_wait3A_92 = arith.constant 0 : i32
        %dma_wait3A_93 = tpu.memref_slice %arg7[%mul3A_61, %dma_wait3A_92] : memref<40x128xi32, #tpu.memory_space<vmem>> -> memref<1x128xi32, #tpu.memory_space<vmem>>
        %dma_wait3A_94 = tpu.memref_squeeze %dma_wait3A_93 : memref<1x128xi32, #tpu.memory_space<vmem>> -> memref<128xi32, #tpu.memory_space<vmem>>
        %dma_wait3A_95 = arith.constant 0 : i32
        %dma_wait3A_96 = arith.constant 0 : i32
        %dma_wait3A_97 = tpu.memref_slice %arg10[%dma_wait3A_95, %dma_wait3A_96] : memref<10240x128xf32, #tpu.memory_space<vmem_shared>> -> memref<10240x128xf32, #tpu.memory_space<vmem_shared>>
        tpu.wait_indirect_dma semaphore(%run_scoped3A_85 : memref<!tpu.dma_semaphore, #tpu.memory_space<semaphore_mem>>) src(%arg8 : memref<128x128xf32, #tpu.memory_space<vmem>>) dst(%dma_wait3A_97 : memref<10240x128xf32, #tpu.memory_space<vmem_shared>>)
        tpu.yield
      }) : () -> ()
      %lt3A = arith.constant 40 : i32
      %lt3A_77 = arith.cmpi slt, %add3A_65, %lt3A : i32
      %convert_element_type3A = arith.extui %lt3A_77 : i1 to i32
      %cond3A = arith.constant 0 : i32
      %cond3A_78 = arith.cmpi ne, %convert_element_type3A, %cond3A : i32
      scf.if %cond3A_78 {
        %dma_start3A_85 = arith.constant 0 : i32
        %dma_start3A_86 = tpu.memref_slice %arg6[%add3A_65, %dma_start3A_85] : memref<40x128xi32, #tpu.memory_space<vmem>> -> memref<1x128xi32, #tpu.memory_space<vmem>>
        %dma_start3A_87 = tpu.memref_squeeze %dma_start3A_86 : memref<1x128xi32, #tpu.memory_space<vmem>> -> memref<128xi32, #tpu.memory_space<vmem>>
        %dma_start3A_88 = arith.constant 0 : i32
        %dma_start3A_89 = arith.constant 0 : i32
        %dma_start3A_90 = tpu.memref_slice %arg4[%dma_start3A_88, %dma_start3A_89] : memref<10240x128xf32, #tpu.memory_space<hbm>> -> memref<10240x128xf32, #tpu.memory_space<hbm>>
        tpu.enqueue_indirect_dma source(%dma_start3A_90 : memref<10240x128xf32, #tpu.memory_space<hbm>>) target(%arg8 : memref<128x128xf32, #tpu.memory_space<vmem>>) offsets(%dma_start3A_87 : memref<128xi32, #tpu.memory_space<vmem>>) semaphore(%arg11 : memref<!tpu.dma_semaphore, #tpu.memory_space<semaphore_mem>>)
      } else {
      }
      %dma_wait3A_79 = arith.constant 0 : i32
      %dma_wait3A_80 = tpu.memref_slice %arg6[%add3A_63, %dma_wait3A_79] : memref<40x128xi32, #tpu.memory_space<vmem>> -> memref<1x128xi32, #tpu.memory_space<vmem>>
      %dma_wait3A_81 = tpu.memref_squeeze %dma_wait3A_80 : memref<1x128xi32, #tpu.memory_space<vmem>> -> memref<128xi32, #tpu.memory_space<vmem>>
      %dma_wait3A_82 = arith.constant 0 : i32
      %dma_wait3A_83 = arith.constant 0 : i32
      %dma_wait3A_84 = tpu.memref_slice %arg4[%dma_wait3A_82, %dma_wait3A_83] : memref<10240x128xf32, #tpu.memory_space<hbm>> -> memref<10240x128xf32, #tpu.memory_space<hbm>>
      tpu.wait_indirect_dma semaphore(%arg12 : memref<!tpu.dma_semaphore, #tpu.memory_space<semaphore_mem>>) src(%dma_wait3A_84 : memref<10240x128xf32, #tpu.memory_space<hbm>>) dst(%arg9 : memref<128x128xf32, #tpu.memory_space<vmem>>)
      "tpu.region"() ({
        %run_scoped3A_85 = tpu.sem_alloc : memref<!tpu.dma_semaphore, #tpu.memory_space<semaphore_mem>>
        %dma_start3A_86 = arith.constant 0 : i32
        %dma_start3A_87 = tpu.memref_slice %arg7[%add3A_63, %dma_start3A_86] : memref<40x128xi32, #tpu.memory_space<vmem>> -> memref<1x128xi32, #tpu.memory_space<vmem>>
        %dma_start3A_88 = tpu.memref_squeeze %dma_start3A_87 : memref<1x128xi32, #tpu.memory_space<vmem>> -> memref<128xi32, #tpu.memory_space<vmem>>
        %dma_start3A_89 = arith.constant 0 : i32
        %dma_start3A_90 = arith.constant 0 : i32
        %dma_start3A_91 = tpu.memref_slice %arg10[%dma_start3A_89, %dma_start3A_90] : memref<10240x128xf32, #tpu.memory_space<vmem_shared>> -> memref<10240x128xf32, #tpu.memory_space<vmem_shared>>
        tpu.enqueue_indirect_dma source(%arg9 : memref<128x128xf32, #tpu.memory_space<vmem>>) target(%dma_start3A_91 : memref<10240x128xf32, #tpu.memory_space<vmem_shared>>) offsets(%dma_start3A_88 : memref<128xi32, #tpu.memory_space<vmem>>) semaphore(%run_scoped3A_85 : memref<!tpu.dma_semaphore, #tpu.memory_space<semaphore_mem>>) {add = true}
        %dma_wait3A_92 = arith.constant 0 : i32
        %dma_wait3A_93 = tpu.memref_slice %arg7[%add3A_63, %dma_wait3A_92] : memref<40x128xi32, #tpu.memory_space<vmem>> -> memref<1x128xi32, #tpu.memory_space<vmem>>
        %dma_wait3A_94 = tpu.memref_squeeze %dma_wait3A_93 : memref<1x128xi32, #tpu.memory_space<vmem>> -> memref<128xi32, #tpu.memory_space<vmem>>
        %dma_wait3A_95 = arith.constant 0 : i32
        %dma_wait3A_96 = arith.constant 0 : i32
        %dma_wait3A_97 = tpu.memref_slice %arg10[%dma_wait3A_95, %dma_wait3A_96] : memref<10240x128xf32, #tpu.memory_space<vmem_shared>> -> memref<10240x128xf32, #tpu.memory_space<vmem_shared>>
        tpu.wait_indirect_dma semaphore(%run_scoped3A_85 : memref<!tpu.dma_semaphore, #tpu.memory_space<semaphore_mem>>) src(%arg9 : memref<128x128xf32, #tpu.memory_space<vmem>>) dst(%dma_wait3A_97 : memref<10240x128xf32, #tpu.memory_space<vmem_shared>>)
        tpu.yield
      }) : () -> ()
    }
    %scan3A_53 = arith.constant 20 : i32
    %barrier3A_54 = arith.constant 0 : index
    tpu.barrier barrier_id(%barrier3A_54)
    %mul3A_55 = arith.constant 640 : i32
    %mul3A_56 = arith.muli %arg1, %mul3A_55 : i32
    %mul3A_57 = arith.constant 640 : i32
    %mul3A_58 = arith.muli %arg1, %mul3A_57 : i32
    "tpu.region"() ({
      %run_scoped3A_59 = tpu.sem_alloc : memref<!tpu.dma_semaphore, #tpu.memory_space<semaphore_mem>>
      %dma_start3A_60 = arith.constant 0 : i32
      %dma_start3A_61 = tpu.memref_slice %arg5[%arg0, %mul3A_58, %dma_start3A_60] : memref<2x10240x128xf32, #tpu.memory_space<hbm>> -> memref<1x640x128xf32, #tpu.memory_space<hbm>>
      %dma_start3A_62 = tpu.memref_squeeze %dma_start3A_61 : memref<1x640x128xf32, #tpu.memory_space<hbm>> -> memref<640x128xf32, #tpu.memory_space<hbm>>
      %dma_start3A_63 = arith.constant 0 : i32
      %dma_start3A_64 = tpu.memref_slice %arg10[%mul3A_56, %dma_start3A_63] : memref<10240x128xf32, #tpu.memory_space<vmem_shared>> -> memref<640x128xf32, #tpu.memory_space<vmem_shared>>
      tpu.enqueue_dma source(%dma_start3A_64 : memref<640x128xf32, #tpu.memory_space<vmem_shared>>) target(%dma_start3A_62 : memref<640x128xf32, #tpu.memory_space<hbm>>) target_semaphore(%run_scoped3A_59 : memref<!tpu.dma_semaphore, #tpu.memory_space<semaphore_mem>>)
      %dma_wait3A = arith.constant 0 : i32
      %dma_wait3A_65 = tpu.memref_slice %arg5[%arg0, %mul3A_58, %dma_wait3A] : memref<2x10240x128xf32, #tpu.memory_space<hbm>> -> memref<1x640x128xf32, #tpu.memory_space<hbm>>
      %dma_wait3A_66 = tpu.memref_squeeze %dma_wait3A_65 : memref<1x640x128xf32, #tpu.memory_space<hbm>> -> memref<640x128xf32, #tpu.memory_space<hbm>>
      %dma_wait3A_67 = arith.constant 0 : i32
      %dma_wait3A_68 = tpu.memref_slice %arg10[%mul3A_56, %dma_wait3A_67] : memref<10240x128xf32, #tpu.memory_space<vmem_shared>> -> memref<640x128xf32, #tpu.memory_space<vmem_shared>>
      tpu.wait_dma2 semaphore(%run_scoped3A_59 : memref<!tpu.dma_semaphore, #tpu.memory_space<semaphore_mem>>) src(%dma_wait3A_68 : memref<640x128xf32, #tpu.memory_space<vmem_shared>>) dst(%dma_wait3A_66 : memref<640x128xf32, #tpu.memory_space<hbm>>)
      tpu.yield
    }) : () -> ()
    return
  }
}

module attributes {stable_mosaic.version = 14 : i64} {
  func.func @_hp_body(%arg0: i32, %arg1: memref<2x8x128xf32, #tpu.memory_space<vmem>>, %arg2: memref<1024x128xf32, #tpu.memory_space<vmem>>, %arg3: memref<128x128xf32, #tpu.memory_space<vmem>>, %arg4: memref<1024x128xf32, #tpu.memory_space<vmem>>) attributes {dimension_semantics = [#tpu.dimension_semantics<arbitrary>], iteration_bounds = array<i64: 10>, scalar_prefetch = 0 : i64, scratch_operands = 0 : i64, tpu.core_type = #tpu.core_type<tc>, window_params = [{transform_indices = @transform_0, window_bounds = array<i64: 2, 8, 128>}, {transform_indices = @transform_1, window_bounds = array<i64: 1024, 128>}, {pipeline_mode = #tpu.pipeline_mode<synchronous>, transform_indices = @transform_2, window_bounds = array<i64: 128, 128>}, {transform_indices = @transform_3, window_bounds = array<i64: 1024, 128>}]} {
    %get3A = arith.constant 0 : index
    %get3A_0 = arith.constant 0 : index
    %get3A_1 = vector.load %arg2[%get3A, %get3A_0] : memref<1024x128xf32, #tpu.memory_space<vmem>>, vector<1024x128xf32>
    %get3A_2 = arith.constant 0 : index
    %get3A_3 = arith.constant 0 : index
    %get3A_4 = vector.load %arg3[%get3A_2, %get3A_3] : memref<128x128xf32, #tpu.memory_space<vmem>>, vector<128x128xf32>
    %dot_general3A = arith.constant dense<0.000000e+00> : vector<1024x128xf32>
    %dot_general3A_5 = tpu.matmul %get3A_1, %get3A_4, %dot_general3A {dimension_numbers = #tpu.dot_dimension_numbers<[1], [0], [0], [1], [0, 0, 1, 1], [], []>, precision = #tpu.contract_precision<fp32>, transpose_lhs_hint = false} : vector<1024x128xf32>, vector<128x128xf32>, vector<1024x128xf32> -> vector<1024x128xf32>
    %reshape3A = vector.shape_cast %dot_general3A_5 : vector<1024x128xf32> to vector<8x128x128xf32>
    %get3A_6 = arith.constant 0 : index
    %get3A_7 = arith.constant 0 : index
    %get3A_8 = arith.constant 0 : index
    %get3A_9 = vector.load %arg1[%get3A_6, %get3A_7, %get3A_8] : memref<2x8x128xf32, #tpu.memory_space<vmem>>, vector<1x8x128xf32>
    %get3A_10 = vector.shape_cast %get3A_9 : vector<1x8x128xf32> to vector<8x128xf32>
    %get3A_11 = arith.constant 1 : index
    %get3A_12 = arith.constant 0 : index
    %get3A_13 = arith.constant 0 : index
    %get3A_14 = vector.load %arg1[%get3A_11, %get3A_12, %get3A_13] : memref<2x8x128xf32, #tpu.memory_space<vmem>>, vector<1x8x128xf32>
    %get3A_15 = vector.shape_cast %get3A_14 : vector<1x8x128xf32> to vector<8x128xf32>
    %add3A = arith.addf %get3A_10, %get3A_15 : vector<8x128xf32>
    %add3A_16 = arith.constant 1.000000e+00 : f32
    %add3A_17 = vector.broadcast %add3A_16 : f32 to vector<8x128xf32>
    %add3A_18 = arith.addf %add3A, %add3A_17 : vector<8x128xf32>
    %rsqrt3A = math.rsqrt %add3A_18 : vector<8x128xf32>
    %broadcast_in_dim3A = vector.shape_cast %rsqrt3A : vector<8x128xf32> to vector<8x128x1xf32>
    %mul3A = vector.broadcast %broadcast_in_dim3A : vector<8x128x1xf32> to vector<8x128x128xf32>
    %mul3A_19 = arith.mulf %mul3A, %reshape3A : vector<8x128x128xf32>
    %reshape3A_20 = vector.shape_cast %mul3A_19 : vector<8x128x128xf32> to vector<1024x128xf32>
    %swap3A = arith.constant 0 : index
    %swap3A_21 = arith.constant 0 : index
    %swap3A_22 = vector.load %arg4[%swap3A, %swap3A_21] : memref<1024x128xf32, #tpu.memory_space<vmem>>, vector<1024x128xf32>
    tpu.vector_store %arg4[%swap3A, %swap3A_21], %reshape3A_20 {strides = array<i32>} : memref<1024x128xf32, #tpu.memory_space<vmem>>, vector<1024x128xf32>,
    return
  }
  func.func @transform_0(%arg0: i32) -> (i32, i32, i32) {
    %c0_i32 = arith.constant 0 : i32
    %c0_i32_0 = arith.constant 0 : i32
    %c0_i32_1 = arith.constant 0 : i32
    return %c0_i32, %arg0, %c0_i32_0 : i32, i32, i32
  }
  func.func @transform_1(%arg0: i32) -> (i32, i32) {
    %c0_i32 = arith.constant 0 : i32
    %c0_i32_0 = arith.constant 0 : i32
    return %arg0, %c0_i32 : i32, i32
  }
  func.func @transform_2(%arg0: i32) -> (i32, i32) {
    %c0_i32 = arith.constant 0 : i32
    %c0_i32_0 = arith.constant 0 : i32
    %c0_i32_1 = arith.constant 0 : i32
    return %c0_i32, %c0_i32_0 : i32, i32
  }
  func.func @transform_3(%arg0: i32) -> (i32, i32) {
    %c0_i32 = arith.constant 0 : i32
    %c0_i32_0 = arith.constant 0 : i32
    return %arg0, %c0_i32 : i32, i32
  }
}

module attributes {stable_mosaic.version = 14 : i64} {
  func.func @_fin_body(%arg0: i32, %arg1: memref<2x8x128xf32, #tpu.memory_space<vmem>>, %arg2: memref<2x1024x128xf32, #tpu.memory_space<vmem>>, %arg3: memref<1024x128xf32, #tpu.memory_space<vmem>>, %arg4: memref<1024x128xf32, #tpu.memory_space<vmem>>, %arg5: memref<64x29xf32, #tpu.memory_space<vmem>>, %arg6: memref<29x128xf32, #tpu.memory_space<vmem>>, %arg7: memref<1x128xf32, #tpu.memory_space<vmem>>, %arg8: memref<29x128xf32, #tpu.memory_space<vmem>>, %arg9: memref<1x128xf32, #tpu.memory_space<vmem>>, %arg10: memref<1x128xf32, #tpu.memory_space<vmem>>, %arg11: memref<1x128xf32, #tpu.memory_space<vmem>>, %arg12: memref<128x2xf32, #tpu.memory_space<vmem>>, %arg13: memref<1x2xf32, #tpu.memory_space<vmem>>, %arg14: memref<64x2xf32, #tpu.memory_space<vmem>>, %arg15: memref<128x128xf32, #tpu.memory_space<vmem>>) attributes {dimension_semantics = [#tpu.dimension_semantics<arbitrary>], iteration_bounds = array<i64: 10>, scalar_prefetch = 0 : i64, scratch_operands = 1 : i64, tpu.core_type = #tpu.core_type<tc>, window_params = [{transform_indices = @transform_0, window_bounds = array<i64: 2, 8, 128>}, {transform_indices = @transform_1, window_bounds = array<i64: 2, 1024, 128>}, {transform_indices = @transform_2, window_bounds = array<i64: 1024, 128>}, {transform_indices = @transform_3, window_bounds = array<i64: 1024, 128>}, {pipeline_mode = #tpu.pipeline_mode<synchronous>, transform_indices = @transform_4, window_bounds = array<i64: 64, 29>}, {pipeline_mode = #tpu.pipeline_mode<synchronous>, transform_indices = @transform_5, window_bounds = array<i64: 29, 128>}, {pipeline_mode = #tpu.pipeline_mode<synchronous>, transform_indices = @transform_6, window_bounds = array<i64: 1, 128>}, {pipeline_mode = #tpu.pipeline_mode<synchronous>, transform_indices = @transform_7, window_bounds = array<i64: 29, 128>}, {pipeline_mode = #tpu.pipeline_mode<synchronous>, transform_indices = @transform_8, window_bounds = array<i64: 1, 128>}, {pipeline_mode = #tpu.pipeline_mode<synchronous>, transform_indices = @transform_9, window_bounds = array<i64: 1, 128>}, {pipeline_mode = #tpu.pipeline_mode<synchronous>, transform_indices = @transform_10, window_bounds = array<i64: 1, 128>}, {pipeline_mode = #tpu.pipeline_mode<synchronous>, transform_indices = @transform_11, window_bounds = array<i64: 128, 2>}, {pipeline_mode = #tpu.pipeline_mode<synchronous>, transform_indices = @transform_12, window_bounds = array<i64: 1, 2>}, {pipeline_mode = #tpu.pipeline_mode<synchronous>, transform_indices = @transform_13, window_bounds = array<i64: 64, 2>}]} {
    %eq3A = arith.constant 0 : i32
    %eq3A_0 = arith.cmpi eq, %arg0, %eq3A : i32
    %convert_element_type3A = arith.extui %eq3A_0 : i1 to i32
    %cond3A = arith.constant 0 : i32
    %cond3A_1 = arith.cmpi ne, %convert_element_type3A, %cond3A : i32
    scf.if %cond3A_1 {
      %broadcast_in_dim3A_67 = arith.constant 0.000000e+00 : f32
      %broadcast_in_dim3A_68 = vector.broadcast %broadcast_in_dim3A_67 : f32 to vector<128x128xf32>
      %swap3A_69 = arith.constant 0 : index
      %swap3A_70 = arith.constant 0 : index
      %swap3A_71 = vector.load %arg15[%swap3A_69, %swap3A_70] : memref<128x128xf32, #tpu.memory_space<vmem>>, vector<128x128xf32>
      tpu.vector_store %arg15[%swap3A_69, %swap3A_70], %broadcast_in_dim3A_68 {strides = array<i32>} : memref<128x128xf32, #tpu.memory_space<vmem>>, vector<128x128xf32>,
    } else {
    }
    %get3A = arith.constant 0 : index
    %get3A_2 = arith.constant 0 : index
    %get3A_3 = arith.constant 0 : index
    %get3A_4 = vector.load %arg2[%get3A, %get3A_2, %get3A_3] : memref<2x1024x128xf32, #tpu.memory_space<vmem>>, vector<1x1024x128xf32>
    %get3A_5 = vector.shape_cast %get3A_4 : vector<1x1024x128xf32> to vector<1024x128xf32>
    %get3A_6 = arith.constant 1 : index
    %get3A_7 = arith.constant 0 : index
    %get3A_8 = arith.constant 0 : index
    %get3A_9 = vector.load %arg2[%get3A_6, %get3A_7, %get3A_8] : memref<2x1024x128xf32, #tpu.memory_space<vmem>>, vector<1x1024x128xf32>
    %get3A_10 = vector.shape_cast %get3A_9 : vector<1x1024x128xf32> to vector<1024x128xf32>
    %add3A = arith.addf %get3A_5, %get3A_10 : vector<1024x128xf32>
    %get3A_11 = arith.constant 0 : index
    %get3A_12 = arith.constant 0 : index
    %get3A_13 = vector.load %arg3[%get3A_11, %get3A_12] : memref<1024x128xf32, #tpu.memory_space<vmem>>, vector<1024x128xf32>
    %add3A_14 = arith.addf %add3A, %get3A_13 : vector<1024x128xf32>
    %get3A_15 = arith.constant 0 : index
    %get3A_16 = arith.constant 0 : index
    %get3A_17 = arith.constant 0 : index
    %get3A_18 = vector.load %arg1[%get3A_15, %get3A_16, %get3A_17] : memref<2x8x128xf32, #tpu.memory_space<vmem>>, vector<1x8x128xf32>
    %get3A_19 = vector.shape_cast %get3A_18 : vector<1x8x128xf32> to vector<8x128xf32>
    %get3A_20 = arith.constant 1 : index
    %get3A_21 = arith.constant 0 : index
    %get3A_22 = arith.constant 0 : index
    %get3A_23 = vector.load %arg1[%get3A_20, %get3A_21, %get3A_22] : memref<2x8x128xf32, #tpu.memory_space<vmem>>, vector<1x8x128xf32>
    %get3A_24 = vector.shape_cast %get3A_23 : vector<1x8x128xf32> to vector<8x128xf32>
    %add3A_25 = arith.addf %get3A_19, %get3A_24 : vector<8x128xf32>
    %add3A_26 = arith.constant 1.000000e+00 : f32
    %add3A_27 = vector.broadcast %add3A_26 : f32 to vector<8x128xf32>
    %add3A_28 = arith.addf %add3A_25, %add3A_27 : vector<8x128xf32>
    %rsqrt3A = math.rsqrt %add3A_28 : vector<8x128xf32>
    %broadcast_in_dim3A = vector.shape_cast %rsqrt3A : vector<8x128xf32> to vector<8x128x1xf32>
    %reshape3A = vector.shape_cast %add3A_14 : vector<1024x128xf32> to vector<8x128x128xf32>
    %mul3A = vector.broadcast %broadcast_in_dim3A : vector<8x128x1xf32> to vector<8x128x128xf32>
    %mul3A_29 = arith.mulf %mul3A, %reshape3A : vector<8x128x128xf32>
    %reshape3A_30 = vector.shape_cast %mul3A_29 : vector<8x128x128xf32> to vector<1024x128xf32>
    %get3A_31 = arith.constant 0 : index
    %get3A_32 = arith.constant 0 : index
    %get3A_33 = vector.load %arg10[%get3A_31, %get3A_32] : memref<1x128xf32, #tpu.memory_space<vmem>>, vector<1x128xf32>
    %add3A_34 = vector.broadcast %get3A_33 : vector<1x128xf32> to vector<1024x128xf32>
    %add3A_35 = arith.addf %reshape3A_30, %add3A_34 : vector<1024x128xf32>
    %max3A = arith.constant 0.000000e+00 : f32
    %max3A_36 = vector.broadcast %max3A : f32 to vector<1024x128xf32>
    %max3A_37 = arith.maximumf %add3A_35, %max3A_36 : vector<1024x128xf32>
    %iota3A = tpu.iota {dimensions = array<i32: 0>} : vector<1024x1xi32>
    %mul3A_38 = arith.constant 1024 : i32
    %mul3A_39 = arith.muli %arg0, %mul3A_38 : i32
    %add3A_40 = vector.broadcast %mul3A_39 : i32 to vector<1024x1xi32>
    %add3A_41 = arith.addi %iota3A, %add3A_40 : vector<1024x1xi32>
    %lt3A = arith.constant 10000 : i32
    %lt3A_42 = vector.broadcast %lt3A : i32 to vector<1024x1xi32>
    %lt3A_43 = arith.cmpi slt, %add3A_41, %lt3A_42 : vector<1024x1xi32>
    %jit3A = arith.constant 0.000000e+00 : f32
    %broadcast_in_dim3A_44 = vector.shape_cast %lt3A_43 : vector<1024x1xi1> to vector<1024x1xi1>
    %broadcast_in_dim3A_45 = vector.broadcast %broadcast_in_dim3A_44 : vector<1024x1xi1> to vector<1024x128xi1>
    %broadcast_in_dim3A_46 = vector.broadcast %jit3A : f32 to vector<1024x128xf32>
    %select_n3A = arith.select %broadcast_in_dim3A_45, %max3A_37, %broadcast_in_dim3A_46 : vector<1024x128xi1>, vector<1024x128xf32>
    %get3A_47 = arith.constant 0 : index
    %get3A_48 = arith.constant 0 : index
    %get3A_49 = vector.load %arg4[%get3A_47, %get3A_48] : memref<1024x128xf32, #tpu.memory_space<vmem>>, vector<1024x128xf32>
    %jit3A_50 = arith.constant 0.000000e+00 : f32
    %broadcast_in_dim3A_51 = vector.shape_cast %lt3A_43 : vector<1024x1xi1> to vector<1024x1xi1>
    %broadcast_in_dim3A_52 = vector.broadcast %broadcast_in_dim3A_51 : vector<1024x1xi1> to vector<1024x128xi1>
    %broadcast_in_dim3A_53 = vector.broadcast %jit3A_50 : f32 to vector<1024x128xf32>
    %select_n3A_54 = arith.select %broadcast_in_dim3A_52, %get3A_49, %broadcast_in_dim3A_53 : vector<1024x128xi1>, vector<1024x128xf32>
    %get3A_55 = arith.constant 0 : index
    %get3A_56 = arith.constant 0 : index
    %get3A_57 = vector.load %arg15[%get3A_55, %get3A_56] : memref<128x128xf32, #tpu.memory_space<vmem>>, vector<128x128xf32>
    %dot_general3A = arith.constant dense<0.000000e+00> : vector<128x128xf32>
    %dot_general3A_58 = tpu.matmul %select_n3A, %select_n3A_54, %dot_general3A {dimension_numbers = #tpu.dot_dimension_numbers<[0], [0], [1], [1], [0, 1, 1, 1], [], []>, precision = #tpu.contract_precision<fp32>, transpose_lhs_hint = false} : vector<1024x128xf32>, vector<1024x128xf32>, vector<128x128xf32> -> vector<128x128xf32>
    %add3A_59 = arith.addf %get3A_57, %dot_general3A_58 : vector<128x128xf32>
    %swap3A = arith.constant 0 : index
    %swap3A_60 = arith.constant 0 : index
    %swap3A_61 = vector.load %arg15[%swap3A, %swap3A_60] : memref<128x128xf32, #tpu.memory_space<vmem>>, vector<128x128xf32>
    tpu.vector_store %arg15[%swap3A, %swap3A_60], %add3A_59 {strides = array<i32>} : memref<128x128xf32, #tpu.memory_space<vmem>>, vector<128x128xf32>,
    %eq3A_62 = arith.constant 9 : i32
    %eq3A_63 = arith.cmpi eq, %arg0, %eq3A_62 : i32
    %convert_element_type3A_64 = arith.extui %eq3A_63 : i1 to i32
    %cond3A_65 = arith.constant 0 : i32
    %cond3A_66 = arith.cmpi ne, %convert_element_type3A_64, %cond3A_65 : i32
    scf.if %cond3A_66 {
      %get3A_67 = arith.constant 0 : index
      %get3A_68 = arith.constant 0 : index
      %get3A_69 = vector.load %arg5[%get3A_67, %get3A_68] : memref<64x29xf32, #tpu.memory_space<vmem>>, vector<64x29xf32>
      %get3A_70 = arith.constant 0 : index
      %get3A_71 = arith.constant 0 : index
      %get3A_72 = vector.load %arg6[%get3A_70, %get3A_71] : memref<29x128xf32, #tpu.memory_space<vmem>>, vector<29x128xf32>
      %dot_general3A_73 = arith.constant dense<0.000000e+00> : vector<64x128xf32>
      %dot_general3A_74 = tpu.matmul %get3A_69, %get3A_72, %dot_general3A_73 {dimension_numbers = #tpu.dot_dimension_numbers<[1], [0], [0], [1], [0, 0, 1, 1], [], []>, precision = #tpu.contract_precision<fp32>, transpose_lhs_hint = false} : vector<64x29xf32>, vector<29x128xf32>, vector<64x128xf32> -> vector<64x128xf32>
      %get3A_75 = arith.constant 0 : index
      %get3A_76 = arith.constant 0 : index
      %get3A_77 = vector.load %arg7[%get3A_75, %get3A_76] : memref<1x128xf32, #tpu.memory_space<vmem>>, vector<1x128xf32>
      %add3A_78 = vector.broadcast %get3A_77 : vector<1x128xf32> to vector<64x128xf32>
      %add3A_79 = arith.addf %dot_general3A_74, %add3A_78 : vector<64x128xf32>
      %get3A_80 = arith.constant 0 : index
      %get3A_81 = arith.constant 0 : index
      %get3A_82 = vector.load %arg8[%get3A_80, %get3A_81] : memref<29x128xf32, #tpu.memory_space<vmem>>, vector<29x128xf32>
      %dot_general3A_83 = arith.constant dense<0.000000e+00> : vector<64x128xf32>
      %dot_general3A_84 = tpu.matmul %get3A_69, %get3A_82, %dot_general3A_83 {dimension_numbers = #tpu.dot_dimension_numbers<[1], [0], [0], [1], [0, 0, 1, 1], [], []>, precision = #tpu.contract_precision<fp32>, transpose_lhs_hint = false} : vector<64x29xf32>, vector<29x128xf32>, vector<64x128xf32> -> vector<64x128xf32>
      %get3A_85 = arith.constant 0 : index
      %get3A_86 = arith.constant 0 : index
      %get3A_87 = vector.load %arg9[%get3A_85, %get3A_86] : memref<1x128xf32, #tpu.memory_space<vmem>>, vector<1x128xf32>
      %add3A_88 = vector.broadcast %get3A_87 : vector<1x128xf32> to vector<64x128xf32>
      %add3A_89 = arith.addf %dot_general3A_84, %add3A_88 : vector<64x128xf32>
      %get3A_90 = arith.constant 0 : index
      %get3A_91 = arith.constant 0 : index
      %get3A_92 = vector.load %arg15[%get3A_90, %get3A_91] : memref<128x128xf32, #tpu.memory_space<vmem>>, vector<128x128xf32>
      %dot_general3A_93 = arith.constant dense<0.000000e+00> : vector<64x128xf32>
      %dot_general3A_94 = tpu.matmul %add3A_79, %get3A_92, %dot_general3A_93 {dimension_numbers = #tpu.dot_dimension_numbers<[1], [0], [0], [1], [0, 0, 1, 1], [], []>, precision = #tpu.contract_precision<fp32>, transpose_lhs_hint = false} : vector<64x128xf32>, vector<128x128xf32>, vector<64x128xf32> -> vector<64x128xf32>
      %get3A_95 = arith.constant 0 : index
      %get3A_96 = arith.constant 0 : index
      %get3A_97 = vector.load %arg11[%get3A_95, %get3A_96] : memref<1x128xf32, #tpu.memory_space<vmem>>, vector<1x128xf32>
      %add3A_98 = vector.broadcast %get3A_97 : vector<1x128xf32> to vector<64x128xf32>
      %add3A_99 = arith.addf %dot_general3A_94, %add3A_98 : vector<64x128xf32>
      %add3A_100 = arith.addf %add3A_99, %add3A_89 : vector<64x128xf32>
      %max3A_101 = arith.constant 0.000000e+00 : f32
      %max3A_102 = vector.broadcast %max3A_101 : f32 to vector<64x128xf32>
      %max3A_103 = arith.maximumf %add3A_100, %max3A_102 : vector<64x128xf32>
      %get3A_104 = arith.constant 0 : index
      %get3A_105 = arith.constant 0 : index
      %get3A_106 = vector.load %arg12[%get3A_104, %get3A_105] : memref<128x2xf32, #tpu.memory_space<vmem>>, vector<128x2xf32>
      %dot_general3A_107 = arith.constant dense<0.000000e+00> : vector<64x2xf32>
      %dot_general3A_108 = tpu.matmul %max3A_103, %get3A_106, %dot_general3A_107 {dimension_numbers = #tpu.dot_dimension_numbers<[1], [0], [0], [1], [0, 0, 1, 1], [], []>, precision = #tpu.contract_precision<fp32>, transpose_lhs_hint = false} : vector<64x128xf32>, vector<128x2xf32>, vector<64x2xf32> -> vector<64x2xf32>
      %get3A_109 = arith.constant 0 : index
      %get3A_110 = arith.constant 0 : index
      %get3A_111 = vector.load %arg13[%get3A_109, %get3A_110] : memref<1x2xf32, #tpu.memory_space<vmem>>, vector<1x2xf32>
      %add3A_112 = vector.broadcast %get3A_111 : vector<1x2xf32> to vector<64x2xf32>
      %add3A_113 = arith.addf %dot_general3A_108, %add3A_112 : vector<64x2xf32>
      %reduce_max3A = arith.constant dense<0xFF800000> : vector<64xf32>
      %reduce_max3A_114 = vector.multi_reduction <maximumf>, %add3A_113, %reduce_max3A [1] : vector<64x2xf32> to vector<64xf32>
      %broadcast_in_dim3A_115 = vector.shape_cast %reduce_max3A_114 : vector<64xf32> to vector<64x1xf32>
      %sub3A = vector.broadcast %broadcast_in_dim3A_115 : vector<64x1xf32> to vector<64x2xf32>
      %sub3A_116 = arith.subf %add3A_113, %sub3A : vector<64x2xf32>
      %exp3A = math.exp %sub3A_116 : vector<64x2xf32>
      %reduce_sum3A = arith.constant dense<0.000000e+00> : vector<64xf32>
      %reduce_sum3A_117 = vector.multi_reduction <add>, %exp3A, %reduce_sum3A [1] : vector<64x2xf32> to vector<64xf32>
      %broadcast_in_dim3A_118 = vector.shape_cast %reduce_sum3A_117 : vector<64xf32> to vector<64x1xf32>
      %log3A = math.log %broadcast_in_dim3A_118 : vector<64x1xf32>
      %add3A_119 = arith.addf %broadcast_in_dim3A_115, %log3A : vector<64x1xf32>
      %sub3A_120 = vector.broadcast %add3A_119 : vector<64x1xf32> to vector<64x2xf32>
      %sub3A_121 = arith.subf %add3A_113, %sub3A_120 : vector<64x2xf32>
      %swap3A_122 = arith.constant 0 : index
      %swap3A_123 = arith.constant 0 : index
      %swap3A_124 = vector.load %arg14[%swap3A_122, %swap3A_123] : memref<64x2xf32, #tpu.memory_space<vmem>>, vector<64x2xf32>
      tpu.vector_store %arg14[%swap3A_122, %swap3A_123], %sub3A_121 {strides = array<i32>} : memref<64x2xf32, #tpu.memory_space<vmem>>, vector<64x2xf32>,
    } else {
    }
    return
  }
  func.func @transform_0(%arg0: i32) -> (i32, i32, i32) {
    %c0_i32 = arith.constant 0 : i32
    %c0_i32_0 = arith.constant 0 : i32
    %c0_i32_1 = arith.constant 0 : i32
    return %c0_i32, %arg0, %c0_i32_0 : i32, i32, i32
  }
  func.func @transform_1(%arg0: i32) -> (i32, i32, i32) {
    %c0_i32 = arith.constant 0 : i32
    %c0_i32_0 = arith.constant 0 : i32
    %c0_i32_1 = arith.constant 0 : i32
    return %c0_i32, %arg0, %c0_i32_0 : i32, i32, i32
  }
  func.func @transform_2(%arg0: i32) -> (i32, i32) {
    %c0_i32 = arith.constant 0 : i32
    %c0_i32_0 = arith.constant 0 : i32
    return %arg0, %c0_i32 : i32, i32
  }
  func.func @transform_3(%arg0: i32) -> (i32, i32) {
    %c0_i32 = arith.constant 0 : i32
    %c0_i32_0 = arith.constant 0 : i32
    return %arg0, %c0_i32 : i32, i32
  }
  func.func @transform_4(%arg0: i32) -> (i32, i32) {
    %c0_i32 = arith.constant 0 : i32
    %c0_i32_0 = arith.constant 0 : i32
    %c0_i32_1 = arith.constant 0 : i32
    return %c0_i32, %c0_i32_0 : i32, i32
  }
  func.func @transform_5(%arg0: i32) -> (i32, i32) {
    %c0_i32 = arith.constant 0 : i32
    %c0_i32_0 = arith.constant 0 : i32
    %c0_i32_1 = arith.constant 0 : i32
    return %c0_i32, %c0_i32_0 : i32, i32
  }
  func.func @transform_6(%arg0: i32) -> (i32, i32) {
    %c0_i32 = arith.constant 0 : i32
    %c0_i32_0 = arith.constant 0 : i32
    %c0_i32_1 = arith.constant 0 : i32
    return %c0_i32, %c0_i32_0 : i32, i32
  }
  func.func @transform_7(%arg0: i32) -> (i32, i32) {
    %c0_i32 = arith.constant 0 : i32
    %c0_i32_0 = arith.constant 0 : i32
    %c0_i32_1 = arith.constant 0 : i32
    return %c0_i32, %c0_i32_0 : i32, i32
  }
  func.func @transform_8(%arg0: i32) -> (i32, i32) {
    %c0_i32 = arith.constant 0 : i32
    %c0_i32_0 = arith.constant 0 : i32
    %c0_i32_1 = arith.constant 0 : i32
    return %c0_i32, %c0_i32_0 : i32, i32
  }
  func.func @transform_9(%arg0: i32) -> (i32, i32) {
    %c0_i32 = arith.constant 0 : i32
    %c0_i32_0 = arith.constant 0 : i32
    %c0_i32_1 = arith.constant 0 : i32
    return %c0_i32, %c0_i32_0 : i32, i32
  }
  func.func @transform_10(%arg0: i32) -> (i32, i32) {
    %c0_i32 = arith.constant 0 : i32
    %c0_i32_0 = arith.constant 0 : i32
    %c0_i32_1 = arith.constant 0 : i32
    return %c0_i32, %c0_i32_0 : i32, i32
  }
  func.func @transform_11(%arg0: i32) -> (i32, i32) {
    %c0_i32 = arith.constant 0 : i32
    %c0_i32_0 = arith.constant 0 : i32
    %c0_i32_1 = arith.constant 0 : i32
    return %c0_i32, %c0_i32_0 : i32, i32
  }
  func.func @transform_12(%arg0: i32) -> (i32, i32) {
    %c0_i32 = arith.constant 0 : i32
    %c0_i32_0 = arith.constant 0 : i32
    %c0_i32_1 = arith.constant 0 : i32
    return %c0_i32, %c0_i32_0 : i32, i32
  }
  func.func @transform_13(%arg0: i32) -> (i32, i32) {
    %c0_i32 = arith.constant 0 : i32
    %c0_i32_0 = arith.constant 0 : i32
    %c0_i32_1 = arith.constant 0 : i32
    return %c0_i32, %c0_i32_0 : i32, i32
  }
}

</mosaic_0001>

<sc_bundles>
// kernel: kernel.6.cloned.1.call-start
scs
__scs_entry_jumppad:
0x0: {  	(pc) =	sbr.rel $0x88, $3  }
0x1: {  	(tag) =	ssettag $0x0;
	lr =	simm.s32 $0x1  }
0x2: {  	[smem:$0x3F94] =	sst lr;
	_ =	strace $0xD0000000  }
0x3: {  	_ = 	snop  }
0x4: {  	_ = 	snop  }
0x5: {  	_ = 	snop  }
0x6: {  	_ = 	snop  }
0x7: {  	_ = 	snop  }
__scs_overlays_trampoline_lowered:
0x8: {  	[smem:$0x3FA3] =	sst s0  }
0x9: {  	[smem:$0x3FA4] =	sst s1  }
0xa: {  	[smem:$0x3FA5] =	sst s2  }
0xb: {  	[smem:$0x3FA6] =	sst s3  }
0xc: {  	[smem:$0x3FA7] =	sst s4  }
0xd: {  	[smem:$0x3FA8] =	sst s5  }
0xe: {  	[smem:$0x3FA9] =	sst s6  }
0xf: {  	[smem:$0x3FAA] =	sst s7  }
0x10: {  	[smem:$0x3FAB] =	sst s8  }
0x11: {  	[smem:$0x3FAC] =	sst s9;
	s0 =	simm.s32 @!p0 $0x0  }
0x12: {  	s1 =	sld [smem:$0x3F92];
	s0 =	simm.s32 @p0 $0x1  }
0x13: {  	[smem:$0x3FAD] =	sst s0;
	s0 =	simm.s32 @!p1 $0x0  }
0x14: {  	s2 =	sld [smem:$0x3F91];
	s0 =	simm.s32 @p1 $0x1  }
0x15: {  	[smem:$0x3FAE] =	sst s0;
	s0 =	simm.s32 @!p2 $0x0  }
0x16: {  	s3 =	sld [smem:$0x3FDB];
	s0 =	simm.s32 @p2 $0x1  }
0x17: {  	s4 =	simm.s32 $0x1BF5;
	[smem:$0x3FB0] =	sst s0  }
0x18: {  	s0 =	sld [smem:$0x3F93];
	_ =	swait.ge [sflag:s4], $0x0  }
0x19: {  	s7 =	sld [smem:$0x3F94]  }
0x1a: {  	s8 =	sadd.s32 $0xFFFFE003, lr  }
0x1b: {  	s9 =	sadd.s32 $0xFFFFFEF7, lr;
	s5 =	simm.s32 $0xFFFFFFFF;
	p2 =	slt.u32 s8, $0xFFFFF086  }
0x1c: {  	p1 =	slt.u32 s9, $0xF7A;
	s5 =	simm.s32 @!p2 $0x0  }
0x1d: {  	s5 =	simm.s32 @p1 $0x1;
	p0 =	seq.s32 s7, s2  }
0x1e: {  	s7 =	smul.u32 @!p0 $0xF7A, s2;
	p2 =	seq.s32 @!p0 s5, $0x0  }
0x1f: {  	s9 =	smul.u32 $0xF7A, s1;
	s8 =	simm.s32 @!p0 $0x1BF5;
	p2 =	por !p2, p0  }
0x20: {  	[sflag:s8] =	ssyncset.s32 @!p0 $0xFFFFF086;
	s6 =	sadd.s32 @!p0 s3, s7;
	s7 =	simm.s32 @!p0 $0x108  }
0x21: {  	s3 =	sadd.s32 s3, s9;
	s6 =	sadd.s32 @!p0 $0x88, s6;
	s7 =	simm.s32 @p2 $0x1082  }
0x22: {  	[simem:s7], [sflag:s8] =	dma.local @!p0 [hbm:s6], $0xF7A  }
0x23: {  	s9 =	sor.u32 $0xD0000000, s2;
	s6 =	simm.s32 $0x108;
	_ =	swait.ge @!p0 [sflag:s8], $0x0  }
0x24: {  	s3 =	sadd.s32 $0x88, s3;
	s6 =	simm.s32 @!p1 $0x1082;
	[sflag:s4] =	ssyncset.s32 $0xFFFFF086  }
0x25: {  	[simem:s6], [sflag:s4] =	dma.local [hbm:s3], $0xF7A  }
0x26: {  	[smem:$0x3F94] =	sst s1;
	(tag) =	ssettag s2;
	_ =	strace s9  }
0x27: {  	s1 =	sld [smem:$0x3FA4]  }
0x28: {  	s2 =	sld [smem:$0x3FA5]  }
0x29: {  	s4 =	sld [smem:$0x3FA7]  }
0x2a: {  	p0 =	seq.s32 s5, $0x0;
	s5 =	sld [smem:$0x3FA8]  }
0x2b: {  	s6 =	sld [smem:$0x3FA9]  }
0x2c: {  	s7 =	sld [smem:$0x3FAA]  }
0x2d: {  	s3 =	simm.s32 $0x108;
	s8 =	sld [smem:$0x3FAB]  }
0x2e: {  	s3 =	simm.s32 @!p0 $0x1082;
	s9 =	sld [smem:$0x3FAC]  }
0x2f: {  	lr =	sadd.s32 s0, s3;
	s0 =	sld [smem:$0x3FA3]  }
0x30: {  	s3 =	sld [smem:$0x3FA6]  }
0x31: {  	[smem:$0x3FAF] =	sst s10  }
0x32: {  	s10 =	sld [smem:$0x3FAD];
	_ =	sdelay $0x3  }
0x33: {  	p0 =	seq.s32 s10, $0x1;
	s10 =	sld [smem:$0x3FAF];
	_ =	sdelay $0x3  }
0x34: {  	[smem:$0x3FAF] =	sst s10  }
0x35: {  	s10 =	sld [smem:$0x3FAE];
	_ =	sdelay $0x3  }
0x36: {  	p1 =	seq.s32 s10, $0x1;
	s10 =	sld [smem:$0x3FAF];
	_ =	sdelay $0x3  }
0x37: {  	[smem:$0x3FAF] =	sst s10  }
0x38: {  	s10 =	sld [smem:$0x3FB0]  }
0x39: {  	_ = 	snop;
	(pc) =	sbr.ind lr, $3  }
0x3a: {  	_ = 	snop  }
0x3b: {  	_ = 	snop  }
0x3c: {  	p2 =	seq.s32 s10, $0x1;
	s10 =	sld [smem:$0x3FAF]  }
0x3d: {  	_ =	shalt  }
0x3e: {  	_ =	shalt  }
0x3f: {  	_ =	shalt  }
0x40: {  	_ =	shalt  }
0x41: {  	_ =	shalt  }
0x42: {  	_ =	shalt  }
0x43: {  	_ =	shalt  }
0x44: {  	_ =	shalt  }
0x45: {  	_ =	shalt  }
0x46: {  	_ =	shalt  }
0x47: {  	_ =	shalt  }
0x48: {  	_ =	shalt  }
0x49: {  	_ =	shalt  }
0x4a: {  	_ =	shalt  }
0x4b: {  	_ =	shalt  }
0x4c: {  	_ =	shalt  }
0x4d: {  	_ =	shalt  }
0x4e: {  	_ =	shalt  }
0x4f: {  	_ =	shalt  }
0x50: {  	_ =	shalt  }
0x51: {  	_ =	shalt  }
0x52: {  	_ =	shalt  }
0x53: {  	_ =	shalt  }
0x54: {  	_ =	shalt  }
0x55: {  	_ =	shalt  }
0x56: {  	_ =	shalt  }
0x57: {  	_ =	shalt  }
0x58: {  	_ =	shalt  }
0x59: {  	_ =	shalt  }
0x5a: {  	_ =	shalt  }
0x5b: {  	_ =	shalt  }
0x5c: {  	_ =	shalt  }
0x5d: {  	_ =	shalt  }
0x5e: {  	_ =	shalt  }
0x5f: {  	_ =	shalt  }
0x60: {  	_ =	shalt  }
0x61: {  	_ =	shalt  }
0x62: {  	_ =	shalt  }
0x63: {  	_ =	shalt  }
0x64: {  	_ =	shalt  }
0x65: {  	_ =	shalt  }
0x66: {  	_ =	shalt  }
0x67: {  	_ =	shalt  }
0x68: {  	_ =	shalt  }
0x69: {  	_ =	shalt  }
0x6a: {  	_ =	shalt  }
0x6b: {  	_ =	shalt  }
0x6c: {  	_ =	shalt  }
0x6d: {  	_ =	shalt  }
0x6e: {  	_ =	shalt  }
0x6f: {  	_ =	shalt  }
0x70: {  	_ =	shalt  }
0x71: {  	_ =	shalt  }
0x72: {  	_ =	shalt  }
0x73: {  	_ =	shalt  }
0x74: {  	_ =	shalt  }
0x75: {  	_ =	shalt  }
0x76: {  	_ =	shalt  }
0x77: {  	_ =	shalt  }
0x78: {  	_ =	shalt  }
0x79: {  	_ =	shalt  }
0x7a: {  	_ =	shalt  }
0x7b: {  	_ =	shalt  }
0x7c: {  	_ =	shalt  }
0x7d: {  	_ =	shalt  }
0x7e: {  	_ =	shalt  }
0x7f: {  	_ =	shalt  }
0x80: {  	_ =	shalt  }
0x81: {  	_ =	shalt  }
0x82: {  	_ =	shalt  }
0x83: {  	_ =	shalt  }
0x84: {  	_ =	shalt  }
0x85: {  	_ =	shalt  }
0x86: {  	_ =	shalt  }
0x87: {  	_ =	shalt  }
.Lfunc_end0:
.L_simem_size_0:
called_computation_lowered:
.L_overlay_start_0:
0x88: {  	s2 =	sld [smem:$0x3FD9]  }
0x89: {  	s3 =	sld [smem:$0x3FFE];
	_ =	sdelay $0x1  }
0x8a: {  	s1 =	srdreg.scid  }
0x8b: {  	s0 =	sand.u32 $0x1, s1  }
0x8c: {  	s16 =	sshll.u32 s0, $0xA;
	s2 =	sadd.s32 s3, s2  }
0x8d: {  	s2 =	sadd.s32 s2, s16  }
0x8e: {  	[smem:$0x3FBB] =	sst s2  }
0x8f: {  	_ = 	snop  }
0x90: {  	(tm) =	ssettm $0x1  }
0x91: {  	s17 =	sld [smem:$0x3FFB];
	_ =	sdelay $0x3  }
0x92: {  	_ =	strace s17  }
0x93: {  	s2 =	sld [smem:$0x3FFC];
	_ =	sdelay $0x3  }
0x94: {  	_ =	strace s2  }
0x95: {  	s2 =	sld [smem:$0x3FFD];
	_ =	sdelay $0x3  }
0x96: {  	_ =	strace s2  }
0x97: {  	_ =	strace $0x8FFFFFFF  }
0x98: {  	s18 =	sld [smem:$0x3FDB];
	_ =	sdelay $0x1  }
0x99: {  	s19 =	simm.s32 $_scs_section_size  }
0x9a: {  	s4 =	simm.s32 $_size__tile_overlayer_lowered;
	s5 =	simm.s32 $_tile_overlayer_lowered  }
0x9b: {  	s22 =	simm.s32 $0x1BFF;
	s21 =	sshll.u32 s5, $0x1;
	s2 =	sadd.s32 s19, s18  }
0x9c: {  	s6 =	simm.s32 $0x0;
	s20 =	sshll.u32 s4, $0x1;
	s4 =	sadd.s32 s21, s2  }
0x9d: {  	[timem:s6], [sflag:s22] =	dma.local [hbm:s4], s20  }
0x9e: {  	_ =	swait.ge [sflag:s22], s20  }
0x9f: {  	s3 =	ssub.s32 $0x0, s20;
	[sflag:s22] =	ssyncset.done $0x0  }
0xa0: {  	[sflag:s22] =	ssyncadd.s32 s3;
	_ =	sdelay $0x1  }
0xa1: {  	s23 =	simm.s32 $0x1B8B  }
0xa2: {  	_ =	swait.ge [sflag:s23], $0x1  }
0xa3: {  	[sflag:s23] =	ssyncset.done $0x0  }
0xa4: {  	s25 =	simm.s32 $0x1B8E;
	s24 =	sld [smem:$0x3FFE];
	[sflag:s23] =	ssyncadd.s32 $0xFFFFFFFF  }
0xa5: {  	s26 =	simm.s32 $execute0_lowered;
	[smem:$0x3FD2] =	sst s25  }
0xa6: {  	s4 =	sshll.u32 s26, $0x1;
	_ =	strace $0x80000046;
	[dreg:$0x1] =	wrdreg $0xFFFFFFFF  }
0xa7: {  	s28 =	simm.s32 $_size_execute0_lowered;
	s2 =	sadd.s32 s2, s4;
	[dreg:$0x0] =	wrdreg $0x0  }
0xa8: {  	s4 =	sshll.u32 s28, $0x1;
	[dreg:$0x2] =	wrdreg s2  }
0xa9: {  	[dreg:$0x3] =	wrdreg s4  }
0xaa: {  	[dreg:$0x4] =	wrdreg $0xC0  }
0xab: {  	_ =	task [dreg:s6], $0x5FFFF  }
0xac: {  	[dreg:$0x1] =	wrdreg $0xFFFFFFFF  }
0xad: {  	[dreg:$0x0] =	wrdreg $0x60  }
0xae: {  	[dreg:$0x2] =	wrdreg s24  }
0xaf: {  	[dreg:$0x3] =	wrdreg $0x50800  }
0xb0: {  	[dreg:$0x4] =	wrdreg $0x9  }
0xb1: {  	_ =	task.clear_ibuf [dreg:s6], $0x5FFFF;
	_ =	strace $0x90000046  }
0xb2: {  	s29 =	simm.s32 $0x9;
	_ =	strace $0x80000048  }
0xb3: {  	_ =	swait.ge [sflag:s29], $0x1  }
0xb4: {  	[sflag:s29] =	ssyncadd.s32 $0xFFFFFFFF  }
0xb5: {  	_ =	strace $0x90000048  }
0xb6: {  	_ =	sfence  }
0xb7: {  	s30 =	sld [smem:$0x0];
	_ =	sdelay $0x2  }
0xb8: {  	s31 =	sshll.u32 s1, $0xD;
	s1 =	sshrl.u32 s1, $0x2  }
0xb9: {  	s3 =	sand.u32 $0x4000, s31;
	s1 =	sadd.s32 s1, s30  }
0xba: {  	s0 =	sor.u32 s3, s0;
	s1 =	sshll.u32 s1, $0x11  }
0xbb: {  	s0 =	sor.u32 s1, s0  }
0xbc: {  	s0 =	sadd.s32 $0x8F2B, s0  }
0xbd: {  	[sflag:s0] =	ssyncadd.remote.s32 $0x1  }
0xbe: {  	_ =	sfence.sel $0xFFFF  }
0xbf: {  	[dreg:$0x0] =	wrdreg $0xFFFFFFFF;
	(pc) =	sbr.abs _section_cstart, $3  }
0xc0: {  	[dreg:$0x1] =	wrdreg $0xFFFFFFFF  }
0xc1: {  	_ =	task.clear_ibuf [dreg:s6], $0x2FFFF;
	_ =	strace $0x9FFFFFFF  }
0xc2: {  	(tm) =	ssettm $0x7FFFFFFF  }
0xc3: {  	_ =	shalt  }
tec
execute0_lowered:
.L_overlay_start_1:
0x0: {  	(tag) =	ssettag $0x1  }
0x1: {  	s4 =	rddreg [dreg:$0x0];
	s0 =	srdreg.scid  }
0x2: {  	s1 =	rddreg [dreg:$0x1];
	s12 =	stileid.u32  }
0x3: {  	s2 =	simm.s32 $0x0;
	s10 =	simm.s32 $0x50;
	s11 =	simm.s32 $0x5000  }
0x4: {  	s14 =	simm.s32 $0x0;
	s3 =	sand.u32 $0x1, s0;
	s0 =	rddreg [dreg:$0x2]  }
0x5: {  	[smem:$0x7FF] =	sst s2;
	s7 =	sshll.u32 s12, $0xA;
	p0 =	sne.s32 s12, $0x0  }
0x6: {  	p1 =	sgt.u32 s12, $0x9;
	s5 =	sshll.u32 s3, $0x4;
	s6 =	smul.u32 $0x2800, s3  }
0x7: {  	_ =	strace $0x80000047;
	s8 =	ssub.s32 $0x2, s3;
	s3 =	sadd.s32 $0x17400, s4  }
0x8: {  	s13 =	sadd.s32 s7, s1;
	s5 =	sor.u32 s12, s5;
	s9 =	sshrl.u32 s8, $0x1  }
0x9: {  	s12 =	sshll.u32 @!p1 s12, $0x6;
	s13 =	sshrl.u32 @!p1 s13, $0x3;
	s5 =	smul.u32 $0x500, s5  }
0xa: {  	s6 =	sadd.s32 s7, s6;
	s8 =	ssub.s32 s8, s9;
	s7 =	simm.s32 $0x1  }
0xb: {  	v0 =	vlaneseq.u32;
	s9 =	simm.s32 $0x2800;
	s6 =	sshrl.u32 s6, $0x3;
	s5 =	sadd.s32 s5, s4  }
0xc: {  	v1 =	vimm.f32 $0.0e+00;
	v6 =	vimm.f32 $1.000000000e+00;
	v2 =	vor.u32 $0x10, v0;
	s12 =	sor.u32 @!p1 $0x1C01, s12;
	s6 =	sadd.s32 s6, s4;
	s4 =	sadd.s32 $0x3400, s5  }
0xd: {  	v3 =	vor.u32 $0x20, v0;
	v4 =	vor.u32 $0x30, v0;
	v5 =	vor.u32 $0x40, v0;
	s5 =	sadd.s32 $0x17A00, s6;
	s6 =	smax.u32 s8, $0x1;
	s8 =	sshrl.u32 @!p0 s1, $0x3  }
.LBB2_1:
0xe: {  	[tilespmem:s2], [sflag:$0x1] =	stream.linear.gather [hbm4b:s4+s2], $0x2800, $0x38;
	[tilespmem:$0x5300] =	vst v63  }
0xf: {  	_ =	swait.ge [sflag:s7], $0x2800  }
0x10: {  	[sflag:s7] =	ssyncset.done $0x0  }
0x11: {  	s15 =	simm.s32 $0x0;
	s16 =	simm.s32 $0x200;
	[sflag:s7] =	ssyncadd.s32 $0xFFFFD800  }
.LBB2_2:
0x12: {  	p2 =	sne.s32 s16, $0x9E00;
	[tilespmem:s15+$0x2870] =	vst v1  }
0x13: {  	[tilespmem:s15+$0x2800] =	vst v1  }
0x14: {  	[tilespmem:s15+$0x2810] =	vst v1  }
.Ltmp0:
0x15: {  	[tilespmem:s15+$0x2820] =	vst v1;
	(pc) =	sbr.rel @p2 .LBB2_2-.Ltmp0, $4  }
0x16: {  	[tilespmem:s15+$0x2830] =	vst v1  }
0x17: {  	[tilespmem:s15+$0x2840] =	vst v1  }
0x18: {  	[tilespmem:s15+$0x2850] =	vst v1  }
0x19: {  	[tilespmem:s15+$0x2860] =	vst v1;
	s15 =	sshra.s32 s16, $0x2;
	s16 =	sadd.s32 $0x200, s16  }
0x1a: {  	[tilespmem:s15+$0x2870] =	vst v1  }
0x1b: {  	[tilespmem:s15+$0x2800] =	vst v1  }
0x1c: {  	[tilespmem:s15+$0x2810] =	vst v1  }
0x1d: {  	[tilespmem:s15+$0x2820] =	vst v1  }
0x1e: {  	[tilespmem:s15+$0x2830] =	vst v1  }
0x1f: {  	[tilespmem:s15+$0x2840] =	vst v1  }
0x20: {  	[tilespmem:s15+$0x2850] =	vst v1  }
0x21: {  	[tilespmem:s15+$0x2860] =	vst v1  }
0x22: {  	[tilespmem:$0x5000] =	vst v0  }
0x23: {  	[tilespmem:$0x5010] =	vst v2  }
0x24: {  	[tilespmem:$0x5020] =	vst v3  }
0x25: {  	[tilespmem:$0x5030] =	vst v4  }
0x26: {  	s15 =	simm.s32 @!p0 $0x1C01;
	[tilespmem:$0x5040] =	vst v5  }
0x27: {  	[spmem:s8], [sflag:s15] =	dma.local @!p0 [hbm:s3], $0x500  }
0x28: {  	s15 =	simm.s32 @!p0 $0x1  }
0x29: {  	_ =	swait.ge @!p0 [sflag:s15], $0x500  }
0x2a: {  	[sflag:s15] =	ssyncset.done @!p0 $0x0  }
0x2b: {  	[sflag:s15] =	ssyncadd.s32 @!p0 $0xFFFFFB00;
	s15 =	simm.s32 $0x0  }
.LBB2_4:
0x2c: {  	s16 =	sshra.s32 s15, $0x2  }
0x2d: {  	v7 =	vld [tilespmem:s16+$0x0];
	_ =	sdelay $0x7  }
0x2e: {  	[tilespmem:v7+s9+$0x0] =	vst.idx.add.f32.msk $0xffff, v6  }
0x2f: {  	v7 =	vld [tilespmem:s16+$0x10];
	_ =	sdelay $0x7  }
0x30: {  	[tilespmem:v7+s9+$0x0] =	vst.idx.add.f32.msk $0xffff, v6  }
0x31: {  	v7 =	vld [tilespmem:s16+$0x20];
	_ =	sdelay $0x7  }
0x32: {  	[tilespmem:v7+s9+$0x0] =	vst.idx.add.f32.msk $0xffff, v6  }
0x33: {  	v7 =	vld [tilespmem:s16+$0x30];
	_ =	sdelay $0x7  }
0x34: {  	[tilespmem:v7+s9+$0x0] =	vst.idx.add.f32.msk $0xffff, v6  }
0x35: {  	v7 =	vld [tilespmem:s16+$0x40];
	_ =	sdelay $0x7  }
0x36: {  	[tilespmem:v7+s9+$0x0] =	vst.idx.add.f32.msk $0xffff, v6  }
0x37: {  	v7 =	vld [tilespmem:s16+$0x50];
	_ =	sdelay $0x7  }
0x38: {  	[tilespmem:v7+s9+$0x0] =	vst.idx.add.f32.msk $0xffff, v6  }
0x39: {  	v7 =	vld [tilespmem:s16+$0x60];
	_ =	sdelay $0x7  }
0x3a: {  	[tilespmem:v7+s9+$0x0] =	vst.idx.add.f32.msk $0xffff, v6  }
0x3b: {  	v7 =	vld [tilespmem:s16+$0x70];
	_ =	sdelay $0x2  }
0x3c: {  	p2 =	sne.s32 s15, $0x9E00  }
.Ltmp1:
0x3d: {  	_ = 	snop;
	(pc) =	sbr.rel @p2 .LBB2_4-.Ltmp1, $2  }
0x3e: {  	_ =	sdelay $0x2  }
0x3f: {  	s15 =	sadd.s32 $0x200, s15;
	[tilespmem:v7+s9+$0x0] =	vst.idx.add.f32.msk $0xffff, v6  }
0x40: {  	[bflag:$0x0] =	sbarrier.arrive $0xFFFF  }
0x41: {  	[spmem:s1] =	stream.indirect.scatter.add.f32 [tilespmem:s9], [sflag:$0x1], $0x80, s11, s10, $0xb8;
	[tilespmem:$0x5300] =	vst v63  }
0x42: {  	_ =	swait.ge [sflag:s7], $0x2800  }
0x43: {  	s14 =	sadd.s32 $0x1, s14;
	[sflag:s7] =	ssyncset.done $0x0  }
0x44: {  	p2 =	sne.s32 s14, s6;
	[sflag:s7] =	ssyncadd.s32 $0xFFFFD800  }
.Ltmp2:
0x45: {  	s15 =	simm.s32 @!p1 $0x1;
	[bflag:$0x0] =	sbarrier.arrive $0xFFFF;
	(pc) =	sbr.rel @p2 .LBB2_1-.Ltmp2, $4  }
0x46: {  	[hbm:s5], [sflag:s12] =	dma.local @!p1 [spmem:s13], $0x80  }
0x47: {  	_ =	swait.ge @!p1 [sflag:s15], $0x80  }
0x48: {  	[sflag:s15] =	ssyncset.done @!p1 $0x0  }
0x49: {  	[sflag:s15] =	ssyncadd.s32 @!p1 $0xFFFFFF80  }
0x4a: {  	_ =	sfence.sel $0x180000  }
0x4b: {  	[bflag:$0x0] =	sbarrier.arrive $0xFFFF  }
0x4c: {  	_ =	strace $0x90000047  }
0x4d: {  	s0 =	sadd.s32 @!p0 $0x100000, s0;
	[bflag:$0x2] =	sbarrier.arrive $0xFFFF  }
0x4e: {  	[sflag:s0] =	ssyncadd.tile.s32 @!p0 $0x1;
	_ =	shalt  }
.Lfunc_end2:
_tile_overlayer_lowered:
.L_overlay_start_2:
0x4f: {  	(tag) =	ssettag $0x2  }
0x50: {  	s0 =	rddreg [dreg:$0x0];
	s2 =	stileid.u32  }
0x51: {  	s1 =	rddreg [dreg:$0x1];
	p0 =	sne.s32 s2, $0x0  }
0x52: {  	s3 =	rddreg [dreg:$0x2];
	[bflag:$0x3] =	sbarrier.arrive $0xFFFF;
	s2 =	simm.s32 @!p0 $0x1C01  }
0x53: {  	[timem:s3], [sflag:s2] =	dma.local @!p0 [hbm:s0], s1  }
0x54: {  	s0 =	simm.s32 @!p0 $0x1  }
0x55: {  	_ =	swait.ge @!p0 [sflag:s0], s1  }
0x56: {  	s1 =	ssub.s32 @!p0 $0x0, s1;
	[sflag:s0] =	ssyncset.done @!p0 $0x0  }
0x57: {  	[sflag:s0] =	ssyncadd.s32 @!p0 s1  }
0x58: {  	[bflag:$0x3] =	sbarrier.arrive $0xFFFF  }
0x59: {  	_ =	shalt  }

// kernel: kernel.9.cloned.1.call-start
scs
__scs_entry_jumppad:
0x0: {  	(pc) =	sbr.rel $0x88, $3  }
0x1: {  	(tag) =	ssettag $0x0;
	lr =	simm.s32 $0x1  }
0x2: {  	[smem:$0x3F94] =	sst lr;
	_ =	strace $0xD0000000  }
0x3: {  	_ = 	snop  }
0x4: {  	_ = 	snop  }
0x5: {  	_ = 	snop  }
0x6: {  	_ = 	snop  }
0x7: {  	_ = 	snop  }
__scs_overlays_trampoline_lowered:
0x8: {  	[smem:$0x3FA3] =	sst s0  }
0x9: {  	[smem:$0x3FA4] =	sst s1  }
0xa: {  	[smem:$0x3FA5] =	sst s2  }
0xb: {  	[smem:$0x3FA6] =	sst s3  }
0xc: {  	[smem:$0x3FA7] =	sst s4  }
0xd: {  	[smem:$0x3FA8] =	sst s5  }
0xe: {  	[smem:$0x3FA9] =	sst s6  }
0xf: {  	[smem:$0x3FAA] =	sst s7  }
0x10: {  	[smem:$0x3FAB] =	sst s8  }
0x11: {  	[smem:$0x3FAC] =	sst s9;
	s0 =	simm.s32 @!p0 $0x0  }
0x12: {  	s1 =	sld [smem:$0x3F92];
	s0 =	simm.s32 @p0 $0x1  }
0x13: {  	[smem:$0x3FAD] =	sst s0;
	s0 =	simm.s32 @!p1 $0x0  }
0x14: {  	s2 =	sld [smem:$0x3F91];
	s0 =	simm.s32 @p1 $0x1  }
0x15: {  	[smem:$0x3FAE] =	sst s0;
	s0 =	simm.s32 @!p2 $0x0  }
0x16: {  	s3 =	sld [smem:$0x3FDB];
	s0 =	simm.s32 @p2 $0x1  }
0x17: {  	s4 =	simm.s32 $0x1BF5;
	[smem:$0x3FB0] =	sst s0  }
0x18: {  	s0 =	sld [smem:$0x3F93];
	_ =	swait.ge [sflag:s4], $0x0  }
0x19: {  	s7 =	sld [smem:$0x3F94]  }
0x1a: {  	s8 =	sadd.s32 $0xFFFFE003, lr  }
0x1b: {  	s9 =	sadd.s32 $0xFFFFFEF7, lr;
	s5 =	simm.s32 $0xFFFFFFFF;
	p2 =	slt.u32 s8, $0xFFFFF086  }
0x1c: {  	p1 =	slt.u32 s9, $0xF7A;
	s5 =	simm.s32 @!p2 $0x0  }
0x1d: {  	s5 =	simm.s32 @p1 $0x1;
	p0 =	seq.s32 s7, s2  }
0x1e: {  	s7 =	smul.u32 @!p0 $0xF7A, s2;
	p2 =	seq.s32 @!p0 s5, $0x0  }
0x1f: {  	s9 =	smul.u32 $0xF7A, s1;
	s8 =	simm.s32 @!p0 $0x1BF5;
	p2 =	por !p2, p0  }
0x20: {  	[sflag:s8] =	ssyncset.s32 @!p0 $0xFFFFF086;
	s6 =	sadd.s32 @!p0 s3, s7;
	s7 =	simm.s32 @!p0 $0x108  }
0x21: {  	s3 =	sadd.s32 s3, s9;
	s6 =	sadd.s32 @!p0 $0x88, s6;
	s7 =	simm.s32 @p2 $0x1082  }
0x22: {  	[simem:s7], [sflag:s8] =	dma.local @!p0 [hbm:s6], $0xF7A  }
0x23: {  	s9 =	sor.u32 $0xD0000000, s2;
	s6 =	simm.s32 $0x108;
	_ =	swait.ge @!p0 [sflag:s8], $0x0  }
0x24: {  	s3 =	sadd.s32 $0x88, s3;
	s6 =	simm.s32 @!p1 $0x1082;
	[sflag:s4] =	ssyncset.s32 $0xFFFFF086  }
0x25: {  	[simem:s6], [sflag:s4] =	dma.local [hbm:s3], $0xF7A  }
0x26: {  	[smem:$0x3F94] =	sst s1;
	(tag) =	ssettag s2;
	_ =	strace s9  }
0x27: {  	s1 =	sld [smem:$0x3FA4]  }
0x28: {  	s2 =	sld [smem:$0x3FA5]  }
0x29: {  	s4 =	sld [smem:$0x3FA7]  }
0x2a: {  	p0 =	seq.s32 s5, $0x0;
	s5 =	sld [smem:$0x3FA8]  }
0x2b: {  	s6 =	sld [smem:$0x3FA9]  }
0x2c: {  	s7 =	sld [smem:$0x3FAA]  }
0x2d: {  	s3 =	simm.s32 $0x108;
	s8 =	sld [smem:$0x3FAB]  }
0x2e: {  	s3 =	simm.s32 @!p0 $0x1082;
	s9 =	sld [smem:$0x3FAC]  }
0x2f: {  	lr =	sadd.s32 s0, s3;
	s0 =	sld [smem:$0x3FA3]  }
0x30: {  	s3 =	sld [smem:$0x3FA6]  }
0x31: {  	[smem:$0x3FAF] =	sst s10  }
0x32: {  	s10 =	sld [smem:$0x3FAD];
	_ =	sdelay $0x3  }
0x33: {  	p0 =	seq.s32 s10, $0x1;
	s10 =	sld [smem:$0x3FAF];
	_ =	sdelay $0x3  }
0x34: {  	[smem:$0x3FAF] =	sst s10  }
0x35: {  	s10 =	sld [smem:$0x3FAE];
	_ =	sdelay $0x3  }
0x36: {  	p1 =	seq.s32 s10, $0x1;
	s10 =	sld [smem:$0x3FAF];
	_ =	sdelay $0x3  }
0x37: {  	[smem:$0x3FAF] =	sst s10  }
0x38: {  	s10 =	sld [smem:$0x3FB0]  }
0x39: {  	_ = 	snop;
	(pc) =	sbr.ind lr, $3  }
0x3a: {  	_ = 	snop  }
0x3b: {  	_ = 	snop  }
0x3c: {  	p2 =	seq.s32 s10, $0x1;
	s10 =	sld [smem:$0x3FAF]  }
0x3d: {  	_ =	shalt  }
0x3e: {  	_ =	shalt  }
0x3f: {  	_ =	shalt  }
0x40: {  	_ =	shalt  }
0x41: {  	_ =	shalt  }
0x42: {  	_ =	shalt  }
0x43: {  	_ =	shalt  }
0x44: {  	_ =	shalt  }
0x45: {  	_ =	shalt  }
0x46: {  	_ =	shalt  }
0x47: {  	_ =	shalt  }
0x48: {  	_ =	shalt  }
0x49: {  	_ =	shalt  }
0x4a: {  	_ =	shalt  }
0x4b: {  	_ =	shalt  }
0x4c: {  	_ =	shalt  }
0x4d: {  	_ =	shalt  }
0x4e: {  	_ =	shalt  }
0x4f: {  	_ =	shalt  }
0x50: {  	_ =	shalt  }
0x51: {  	_ =	shalt  }
0x52: {  	_ =	shalt  }
0x53: {  	_ =	shalt  }
0x54: {  	_ =	shalt  }
0x55: {  	_ =	shalt  }
0x56: {  	_ =	shalt  }
0x57: {  	_ =	shalt  }
0x58: {  	_ =	shalt  }
0x59: {  	_ =	shalt  }
0x5a: {  	_ =	shalt  }
0x5b: {  	_ =	shalt  }
0x5c: {  	_ =	shalt  }
0x5d: {  	_ =	shalt  }
0x5e: {  	_ =	shalt  }
0x5f: {  	_ =	shalt  }
0x60: {  	_ =	shalt  }
0x61: {  	_ =	shalt  }
0x62: {  	_ =	shalt  }
0x63: {  	_ =	shalt  }
0x64: {  	_ =	shalt  }
0x65: {  	_ =	shalt  }
0x66: {  	_ =	shalt  }
0x67: {  	_ =	shalt  }
0x68: {  	_ =	shalt  }
0x69: {  	_ =	shalt  }
0x6a: {  	_ =	shalt  }
0x6b: {  	_ =	shalt  }
0x6c: {  	_ =	shalt  }
0x6d: {  	_ =	shalt  }
0x6e: {  	_ =	shalt  }
0x6f: {  	_ =	shalt  }
0x70: {  	_ =	shalt  }
0x71: {  	_ =	shalt  }
0x72: {  	_ =	shalt  }
0x73: {  	_ =	shalt  }
0x74: {  	_ =	shalt  }
0x75: {  	_ =	shalt  }
0x76: {  	_ =	shalt  }
0x77: {  	_ =	shalt  }
0x78: {  	_ =	shalt  }
0x79: {  	_ =	shalt  }
0x7a: {  	_ =	shalt  }
0x7b: {  	_ =	shalt  }
0x7c: {  	_ =	shalt  }
0x7d: {  	_ =	shalt  }
0x7e: {  	_ =	shalt  }
0x7f: {  	_ =	shalt  }
0x80: {  	_ =	shalt  }
0x81: {  	_ =	shalt  }
0x82: {  	_ =	shalt  }
0x83: {  	_ =	shalt  }
0x84: {  	_ =	shalt  }
0x85: {  	_ =	shalt  }
0x86: {  	_ =	shalt  }
0x87: {  	_ =	shalt  }
.Lfunc_end0:
.L_simem_size_0:
called_computation.1_lowered:
.L_overlay_start_0:
0x88: {  	s2 =	sld [smem:$0x3FD9]  }
0x89: {  	s3 =	sld [smem:$0x3FFE];
	_ =	sdelay $0x1  }
0x8a: {  	s1 =	srdreg.scid  }
0x8b: {  	s0 =	sand.u32 $0x1, s1  }
0x8c: {  	s16 =	sshll.u32 s0, $0xA;
	s2 =	sadd.s32 s3, s2  }
0x8d: {  	s2 =	sadd.s32 s2, s16  }
0x8e: {  	[smem:$0x3FBB] =	sst s2  }
0x8f: {  	_ = 	snop  }
0x90: {  	(tm) =	ssettm $0x1  }
0x91: {  	s17 =	sld [smem:$0x3FFB];
	_ =	sdelay $0x3  }
0x92: {  	_ =	strace s17  }
0x93: {  	s2 =	sld [smem:$0x3FFC];
	_ =	sdelay $0x3  }
0x94: {  	_ =	strace s2  }
0x95: {  	s2 =	sld [smem:$0x3FFD];
	_ =	sdelay $0x3  }
0x96: {  	_ =	strace s2  }
0x97: {  	_ =	strace $0x8FFFFFFF  }
0x98: {  	s18 =	sld [smem:$0x3FDB];
	_ =	sdelay $0x1  }
0x99: {  	s19 =	simm.s32 $_scs_section_size  }
0x9a: {  	s4 =	simm.s32 $_size__tile_overlayer_lowered;
	s5 =	simm.s32 $_tile_overlayer_lowered  }
0x9b: {  	s22 =	simm.s32 $0x1BFF;
	s21 =	sshll.u32 s5, $0x1;
	s2 =	sadd.s32 s19, s18  }
0x9c: {  	s6 =	simm.s32 $0x0;
	s20 =	sshll.u32 s4, $0x1;
	s4 =	sadd.s32 s21, s2  }
0x9d: {  	[timem:s6], [sflag:s22] =	dma.local [hbm:s4], s20  }
0x9e: {  	_ =	swait.ge [sflag:s22], s20  }
0x9f: {  	s3 =	ssub.s32 $0x0, s20;
	[sflag:s22] =	ssyncset.done $0x0  }
0xa0: {  	[sflag:s22] =	ssyncadd.s32 s3;
	_ =	sdelay $0x1  }
0xa1: {  	s23 =	simm.s32 $0x1B8B  }
0xa2: {  	_ =	swait.ge [sflag:s23], $0x1  }
0xa3: {  	[sflag:s23] =	ssyncset.done $0x0  }
0xa4: {  	s25 =	simm.s32 $0x1B8E;
	s24 =	sld [smem:$0x3FFE];
	[sflag:s23] =	ssyncadd.s32 $0xFFFFFFFF  }
0xa5: {  	s26 =	simm.s32 $execute0_lowered;
	[smem:$0x3FD2] =	sst s25  }
0xa6: {  	s4 =	sshll.u32 s26, $0x1;
	_ =	strace $0x80000049;
	[dreg:$0x1] =	wrdreg $0xFFFFFFFF  }
0xa7: {  	s28 =	simm.s32 $_size_execute0_lowered;
	s2 =	sadd.s32 s2, s4;
	[dreg:$0x0] =	wrdreg $0x0  }
0xa8: {  	s4 =	sshll.u32 s28, $0x1;
	[dreg:$0x2] =	wrdreg s2  }
0xa9: {  	[dreg:$0x3] =	wrdreg s4  }
0xaa: {  	[dreg:$0x4] =	wrdreg $0xC0  }
0xab: {  	_ =	task [dreg:s6], $0x5FFFF  }
0xac: {  	[dreg:$0x1] =	wrdreg $0xFFFFFFFF  }
0xad: {  	[dreg:$0x0] =	wrdreg $0x60  }
0xae: {  	[dreg:$0x2] =	wrdreg s24  }
0xaf: {  	[dreg:$0x3] =	wrdreg $0xA8000  }
0xb0: {  	[dreg:$0x4] =	wrdreg $0x9  }
0xb1: {  	_ =	task.clear_ibuf [dreg:s6], $0x5FFFF;
	_ =	strace $0x90000049  }
0xb2: {  	s29 =	simm.s32 $0x9;
	_ =	strace $0x8000004B  }
0xb3: {  	_ =	swait.ge [sflag:s29], $0x1  }
0xb4: {  	[sflag:s29] =	ssyncadd.s32 $0xFFFFFFFF  }
0xb5: {  	_ =	strace $0x9000004B  }
0xb6: {  	_ =	sfence  }
0xb7: {  	s30 =	sld [smem:$0x0];
	_ =	sdelay $0x2  }
0xb8: {  	s31 =	sshll.u32 s1, $0xD;
	s1 =	sshrl.u32 s1, $0x2  }
0xb9: {  	s3 =	sand.u32 $0x4000, s31;
	s1 =	sadd.s32 s1, s30  }
0xba: {  	s0 =	sor.u32 s3, s0;
	s1 =	sshll.u32 s1, $0x11  }
0xbb: {  	s0 =	sor.u32 s1, s0  }
0xbc: {  	s0 =	sadd.s32 $0x8F2B, s0  }
0xbd: {  	[sflag:s0] =	ssyncadd.remote.s32 $0x1  }
0xbe: {  	_ =	sfence.sel $0xFFFF  }
0xbf: {  	[dreg:$0x0] =	wrdreg $0xFFFFFFFF;
	(pc) =	sbr.abs _section_cstart, $3  }
0xc0: {  	[dreg:$0x1] =	wrdreg $0xFFFFFFFF  }
0xc1: {  	_ =	task.clear_ibuf [dreg:s6], $0x2FFFF;
	_ =	strace $0x9FFFFFFF  }
0xc2: {  	(tm) =	ssettm $0x7FFFFFFF  }
0xc3: {  	_ =	shalt  }
tec
execute0_lowered:
.L_overlay_start_1:
0x0: {  	(tag) =	ssettag $0x1  }
0x1: {  	s6 =	rddreg [dreg:$0x0]  }
0x2: {  	s1 =	rddreg [dreg:$0x1];
	s2 =	srdreg.scid  }
0x3: {  	s0 =	rddreg [dreg:$0x2];
	s3 =	simm.s32 $0x0;
	s17 =	simm.s32 $0x3  }
0x4: {  	s18 =	simm.s32 $0x1400;
	s19 =	simm.s32 $0x80;
	s20 =	simm.s32 $0x6800  }
0x5: {  	s21 =	simm.s32 $0x1;
	s22 =	simm.s32 $0x2;
	s23 =	simm.s32 $0x1380  }
0x6: {  	s24 =	simm.s32 $0x2700;
	s5 =	sand.u32 $0x1, s2;
	s2 =	stileid.u32  }
0x7: {  	s25 =	simm.s32 $0x2780;
	[smem:$0x7FF] =	sst s3;
	s4 =	smul.u32 $0x140000, s5  }
0x8: {  	s12 =	sadd.s32 $0xD400, s6;
	s13 =	sadd.s32 $0x3400, s6;
	s7 =	smul.u32 $0x14000, s2  }
0x9: {  	s8 =	smul.u32 $0x50000, s2;
	s9 =	sshll.u32 s5, $0x4;
	s10 =	ssub.s32 $0x2, s5  }
0xa: {  	_ =	strace $0x8000004A;
	s9 =	sor.u32 s2, s9;
	s31 =	sshrl.u32 s10, $0x1  }
0xb: {  	s7 =	sadd.s32 s7, s4;
	s4 =	sadd.s32 $0x17400, s6;
	s30 =	sshrl.u32 s8, $0x2  }
0xc: {  	s9 =	smul.u32 $0x2800, s9;
	s15 =	ssub.s32 s10, s31;
	s7 =	sshrl.u32 s7, $0x3  }
0xd: {  	s5 =	sadd.s32 s30, s1;
	s15 =	smax.u32 s15, $0x1;
	s14 =	sadd.s32 s7, s6  }
0xe: {  	s6 =	sadd.s32 $0x4000, s5;
	s7 =	sadd.s32 $0x8000, s5;
	s11 =	sshrl.u32 s9, $0x3  }
0xf: {  	s8 =	sadd.s32 $0xC000, s5;
	s9 =	sadd.s32 $0x10000, s5;
	s10 =	sadd.s32 s12, s11  }
0x10: {  	s16 =	sadd.s32 $0x280, s11;
	s11 =	sadd.s32 s13, s11;
	s14 =	sadd.s32 $0x3F400, s14  }
0x11: {  	v0 =	vimm.f32 $0.0e+00;
	s12 =	sadd.s32 s12, s16;
	s13 =	sadd.s32 s13, s16;
	s16 =	simm.s32 $0x2800  }
.LBB2_1:
0x12: {  	s26 =	simm.s32 $0x0;
	s28 =	simm.s32 $0x200  }
.LBB2_2:
0x13: {  	p0 =	sne.s32 s28, $0xFE00;
	[tilespmem:s26+$0x2870] =	vst v0  }
0x14: {  	[tilespmem:s26+$0x2800] =	vst v0  }
0x15: {  	[tilespmem:s26+$0x2810] =	vst v0  }
.Ltmp0:
0x16: {  	[tilespmem:s26+$0x2820] =	vst v0;
	(pc) =	sbr.rel @p0 .LBB2_2-.Ltmp0, $4  }
0x17: {  	[tilespmem:s26+$0x2830] =	vst v0  }
0x18: {  	[tilespmem:s26+$0x2840] =	vst v0  }
0x19: {  	[tilespmem:s26+$0x2850] =	vst v0  }
0x1a: {  	[tilespmem:s26+$0x2860] =	vst v0;
	s26 =	sshra.s32 s28, $0x2;
	s28 =	sadd.s32 $0x200, s28  }
0x1b: {  	[tilespmem:s26+$0x2870] =	vst v0  }
0x1c: {  	[tilespmem:s26+$0x2800] =	vst v0  }
0x1d: {  	[tilespmem:s26+$0x2810] =	vst v0  }
0x1e: {  	[tilespmem:s26+$0x2820] =	vst v0  }
0x1f: {  	[tilespmem:s26+$0x2830] =	vst v0  }
0x20: {  	[tilespmem:s26+$0x2840] =	vst v0  }
0x21: {  	[tilespmem:s26+$0x2850] =	vst v0  }
0x22: {  	[tilespmem:s26+$0x2860] =	vst v0  }
0x23: {  	[spmem:s5] =	stream.linear.scatter [tilespmem:s16], [sflag:$0x3], $0x4000, $0x38;
	[tilespmem:$0x1E800] =	vst v63  }
0x24: {  	_ =	swait.ge [sflag:s17], $0x4000  }
0x25: {  	[sflag:s17] =	ssyncset.done $0x0  }
0x26: {  	[sflag:s17] =	ssyncadd.s32 $0xFFFFC000  }
0x27: {  	[spmem:s6] =	stream.linear.scatter [tilespmem:s16], [sflag:$0x3], $0x4000, $0x38;
	[tilespmem:$0x1E800] =	vst v63  }
0x28: {  	_ =	swait.ge [sflag:s17], $0x4000  }
0x29: {  	[sflag:s17] =	ssyncset.done $0x0  }
0x2a: {  	[sflag:s17] =	ssyncadd.s32 $0xFFFFC000  }
0x2b: {  	[spmem:s7] =	stream.linear.scatter [tilespmem:s16], [sflag:$0x3], $0x4000, $0x38;
	[tilespmem:$0x1E800] =	vst v63  }
0x2c: {  	_ =	swait.ge [sflag:s17], $0x4000  }
0x2d: {  	[sflag:s17] =	ssyncset.done $0x0  }
0x2e: {  	[sflag:s17] =	ssyncadd.s32 $0xFFFFC000  }
0x2f: {  	[spmem:s8] =	stream.linear.scatter [tilespmem:s16], [sflag:$0x3], $0x4000, $0x38;
	[tilespmem:$0x1E800] =	vst v63  }
0x30: {  	_ =	swait.ge [sflag:s17], $0x4000  }
0x31: {  	[sflag:s17] =	ssyncset.done $0x0  }
0x32: {  	[sflag:s17] =	ssyncadd.s32 $0xFFFFC000  }
0x33: {  	[spmem:s9] =	stream.linear.scatter [tilespmem:s16], [sflag:$0x3], $0x4000, $0x38;
	[tilespmem:$0x1E800] =	vst v63  }
0x34: {  	_ =	swait.ge [sflag:s17], $0x4000  }
0x35: {  	[sflag:s17] =	ssyncset.done $0x0  }
0x36: {  	[sflag:s17] =	ssyncadd.s32 $0xFFFFC000  }
0x37: {  	s30 =	simm.s32 $0x0;
	[bflag:$0x0] =	sbarrier.arrive $0xFFFF  }
0x38: {  	[tilespmem:s30], [sflag:$0x3] =	stream.linear.gather [hbm4b:s10+s30], $0x1400, $0x38;
	[tilespmem:$0x1E800] =	vst v63  }
0x39: {  	_ =	swait.ge [sflag:s17], $0x1400  }
0x3a: {  	[sflag:s17] =	ssyncset.done $0x0  }
0x3b: {  	[sflag:s17] =	ssyncadd.s32 $0xFFFFEC00  }
0x3c: {  	[tilespmem:s18], [sflag:$0x3] =	stream.linear.gather [hbm4b:s11+s30], $0x1400, $0x38;
	[tilespmem:$0x1E800] =	vst v63  }
0x3d: {  	_ =	swait.ge [sflag:s17], $0x1400  }
0x3e: {  	[sflag:s17] =	ssyncset.done $0x0  }
0x3f: {  	[sflag:s17] =	ssyncadd.s32 $0xFFFFEC00  }
0x40: {  	[tilespmem:s16], [sflag:$0x1] =	stream.indirect.gather [hbm4b:s4+s19], $0x80, s30, s19, $0xb8;
	[tilespmem:$0x1E800] =	vst v63  }
0x41: {  	s31 =	simm.s32 $0x80  }
0x42: {  	[tilespmem:s20], [sflag:$0x2] =	stream.indirect.gather [hbm4b:s4+s19], $0x80, s31, s19, $0xb8;
	[tilespmem:$0x1E800] =	vst v63  }
0x43: {  	_ =	swait.ge [sflag:s21], $0x4000  }
0x44: {  	[sflag:s21] =	ssyncset.done $0x0  }
0x45: {  	s29 =	simm.s32 $0x1400;
	[sflag:s21] =	ssyncadd.s32 $0xFFFFC000  }
0x46: {  	[spmem:s1] =	stream.indirect.scatter.add.f32 [tilespmem:s16], [sflag:$0x3], $0x80, s29, s19, $0xb8;
	[tilespmem:$0x1E800] =	vst v63  }
0x47: {  	_ =	swait.ge [sflag:s17], $0x4000  }
0x48: {  	[sflag:s17] =	ssyncset.done $0x0  }
0x49: {  	s30 =	simm.s32 $0x100;
	[sflag:s17] =	ssyncadd.s32 $0xFFFFC000  }
0x4a: {  	[tilespmem:s16], [sflag:$0x1] =	stream.indirect.gather [hbm4b:s4+s19], $0x80, s30, s19, $0xb8;
	[tilespmem:$0x1E800] =	vst v63  }
0x4b: {  	_ =	swait.ge [sflag:s22], $0x4000  }
0x4c: {  	[sflag:s22] =	ssyncset.done $0x0  }
0x4d: {  	s31 =	simm.s32 $0x1480;
	[sflag:s22] =	ssyncadd.s32 $0xFFFFC000  }
0x4e: {  	[spmem:s1] =	stream.indirect.scatter.add.f32 [tilespmem:s20], [sflag:$0x3], $0x80, s31, s19, $0xb8;
	[tilespmem:$0x1E800] =	vst v63  }
0x4f: {  	_ =	swait.ge [sflag:s17], $0x4000  }
0x50: {  	s28 =	simm.s32 $0x800;
	s26 =	simm.s32 $0x100;
	[sflag:s17] =	ssyncset.done $0x0  }
.LBB2_4:
0x51: {  	s29 =	sadd.s32 $0x80, s26  }
0x52: {  	[sflag:s17] =	ssyncadd.s32 $0xFFFFC000;
	s30 =	smov.u32 s28;
	s31 =	sadd.s32 $0x400, s28  }
0x53: {  	[tilespmem:s20], [sflag:$0x2] =	stream.indirect.gather [hbm4b:s4+s19], $0x80, s29, s19, $0xb8;
	[tilespmem:$0x1E800] =	vst v63  }
0x54: {  	p0 =	sne.s32 s28, $0x4800;
	_ =	swait.ge [sflag:s21], $0x4000  }
0x55: {  	[sflag:s21] =	ssyncset.done $0x0  }
0x56: {  	s28 =	sadd.s32 $0x1400, s26;
	[sflag:s21] =	ssyncadd.s32 $0xFFFFC000  }
0x57: {  	[spmem:s1] =	stream.indirect.scatter.add.f32 [tilespmem:s16], [sflag:$0x3], $0x80, s28, s19, $0xb8;
	[tilespmem:$0x1E800] =	vst v63  }
0x58: {  	_ =	swait.ge [sflag:s17], $0x4000  }
0x59: {  	[sflag:s17] =	ssyncset.done $0x0  }
0x5a: {  	s28 =	sadd.s32 $0x100, s26;
	[sflag:s17] =	ssyncadd.s32 $0xFFFFC000  }
0x5b: {  	[tilespmem:s16], [sflag:$0x1] =	stream.indirect.gather [hbm4b:s4+s19], $0x80, s28, s19, $0xb8;
	[tilespmem:$0x1E800] =	vst v63  }
0x5c: {  	_ =	swait.ge [sflag:s22], $0x4000  }
.Ltmp1:
0x5d: {  	[sflag:s22] =	ssyncset.done $0x0;
	(pc) =	sbr.rel @p0 .LBB2_4-.Ltmp1, $4  }
0x5e: {  	s26 =	sadd.s32 $0x1480, s26;
	[sflag:s22] =	ssyncadd.s32 $0xFFFFC000  }
0x5f: {  	[spmem:s1] =	stream.indirect.scatter.add.f32 [tilespmem:s20], [sflag:$0x3], $0x80, s26, s19, $0xb8;
	[tilespmem:$0x1E800] =	vst v63  }
0x60: {  	_ =	swait.ge [sflag:s17], $0x4000  }
0x61: {  	s28 =	smov.u32 s31;
	s26 =	sshra.s32 s30, $0x2;
	[sflag:s17] =	ssyncset.done $0x0  }
0x62: {  	s28 =	sadd.s32 $0x80, s26;
	[sflag:s17] =	ssyncadd.s32 $0xFFFFC000  }
0x63: {  	[tilespmem:s20], [sflag:$0x2] =	stream.indirect.gather [hbm4b:s4+s19], $0x80, s28, s19, $0xb8;
	[tilespmem:$0x1E800] =	vst v63  }
0x64: {  	_ =	swait.ge [sflag:s21], $0x4000  }
0x65: {  	[sflag:s21] =	ssyncset.done $0x0  }
0x66: {  	s28 =	sadd.s32 $0x1400, s26;
	[sflag:s21] =	ssyncadd.s32 $0xFFFFC000  }
0x67: {  	[spmem:s1] =	stream.indirect.scatter.add.f32 [tilespmem:s16], [sflag:$0x3], $0x80, s28, s19, $0xb8;
	[tilespmem:$0x1E800] =	vst v63  }
0x68: {  	_ =	swait.ge [sflag:s17], $0x4000  }
0x69: {  	[sflag:s17] =	ssyncset.done $0x0  }
0x6a: {  	s28 =	sadd.s32 $0x100, s26;
	[sflag:s17] =	ssyncadd.s32 $0xFFFFC000  }
0x6b: {  	[tilespmem:s16], [sflag:$0x1] =	stream.indirect.gather [hbm4b:s4+s19], $0x80, s28, s19, $0xb8;
	[tilespmem:$0x1E800] =	vst v63  }
0x6c: {  	_ =	swait.ge [sflag:s22], $0x4000  }
0x6d: {  	[sflag:s22] =	ssyncset.done $0x0  }
0x6e: {  	s29 =	sadd.s32 $0x1480, s26;
	[sflag:s22] =	ssyncadd.s32 $0xFFFFC000  }
0x6f: {  	[spmem:s1] =	stream.indirect.scatter.add.f32 [tilespmem:s20], [sflag:$0x3], $0x80, s29, s19, $0xb8;
	[tilespmem:$0x1E800] =	vst v63  }
0x70: {  	_ =	swait.ge [sflag:s17], $0x4000  }
0x71: {  	[sflag:s17] =	ssyncset.done $0x0  }
0x72: {  	[sflag:s17] =	ssyncadd.s32 $0xFFFFC000  }
0x73: {  	[tilespmem:s20], [sflag:$0x2] =	stream.indirect.gather [hbm4b:s4+s19], $0x80, s23, s19, $0xb8;
	[tilespmem:$0x1E800] =	vst v63  }
0x74: {  	_ =	swait.ge [sflag:s21], $0x4000  }
0x75: {  	[sflag:s21] =	ssyncset.done $0x0  }
0x76: {  	[sflag:s21] =	ssyncadd.s32 $0xFFFFC000  }
0x77: {  	[spmem:s1] =	stream.indirect.scatter.add.f32 [tilespmem:s16], [sflag:$0x3], $0x80, s24, s19, $0xb8;
	[tilespmem:$0x1E800] =	vst v63  }
0x78: {  	_ =	swait.ge [sflag:s17], $0x4000  }
0x79: {  	[sflag:s17] =	ssyncset.done $0x0  }
0x7a: {  	[sflag:s17] =	ssyncadd.s32 $0xFFFFC000  }
0x7b: {  	_ =	swait.ge [sflag:s22], $0x4000  }
0x7c: {  	[sflag:s22] =	ssyncset.done $0x0  }
0x7d: {  	[sflag:s22] =	ssyncadd.s32 $0xFFFFC000  }
0x7e: {  	[spmem:s1] =	stream.indirect.scatter.add.f32 [tilespmem:s20], [sflag:$0x3], $0x80, s25, s19, $0xb8;
	[tilespmem:$0x1E800] =	vst v63  }
0x7f: {  	_ =	swait.ge [sflag:s17], $0x4000  }
0x80: {  	[sflag:s17] =	ssyncset.done $0x0  }
0x81: {  	s30 =	simm.s32 $0x0;
	[sflag:s17] =	ssyncadd.s32 $0xFFFFC000  }
0x82: {  	[tilespmem:s30], [sflag:$0x3] =	stream.linear.gather [hbm4b:s12+s30], $0x1400, $0x38;
	[tilespmem:$0x1E800] =	vst v63  }
0x83: {  	_ =	swait.ge [sflag:s17], $0x1400  }
0x84: {  	[sflag:s17] =	ssyncset.done $0x0  }
0x85: {  	[sflag:s17] =	ssyncadd.s32 $0xFFFFEC00  }
0x86: {  	[tilespmem:s18], [sflag:$0x3] =	stream.linear.gather [hbm4b:s13+s30], $0x1400, $0x38;
	[tilespmem:$0x1E800] =	vst v63  }
0x87: {  	_ =	swait.ge [sflag:s17], $0x1400  }
0x88: {  	[sflag:s17] =	ssyncset.done $0x0  }
0x89: {  	[sflag:s17] =	ssyncadd.s32 $0xFFFFEC00  }
0x8a: {  	[tilespmem:s16], [sflag:$0x1] =	stream.indirect.gather [hbm4b:s4+s19], $0x80, s30, s19, $0xb8;
	[tilespmem:$0x1E800] =	vst v63  }
0x8b: {  	s31 =	simm.s32 $0x80  }
0x8c: {  	[tilespmem:s20], [sflag:$0x2] =	stream.indirect.gather [hbm4b:s4+s19], $0x80, s31, s19, $0xb8;
	[tilespmem:$0x1E800] =	vst v63  }
0x8d: {  	_ =	swait.ge [sflag:s21], $0x4000  }
0x8e: {  	[sflag:s21] =	ssyncset.done $0x0  }
0x8f: {  	s29 =	simm.s32 $0x1400;
	[sflag:s21] =	ssyncadd.s32 $0xFFFFC000  }
0x90: {  	[spmem:s1] =	stream.indirect.scatter.add.f32 [tilespmem:s16], [sflag:$0x3], $0x80, s29, s19, $0xb8;
	[tilespmem:$0x1E800] =	vst v63  }
0x91: {  	_ =	swait.ge [sflag:s17], $0x4000  }
0x92: {  	[sflag:s17] =	ssyncset.done $0x0  }
0x93: {  	s30 =	simm.s32 $0x100;
	[sflag:s17] =	ssyncadd.s32 $0xFFFFC000  }
0x94: {  	[tilespmem:s16], [sflag:$0x1] =	stream.indirect.gather [hbm4b:s4+s19], $0x80, s30, s19, $0xb8;
	[tilespmem:$0x1E800] =	vst v63  }
0x95: {  	_ =	swait.ge [sflag:s22], $0x4000  }
0x96: {  	[sflag:s22] =	ssyncset.done $0x0  }
0x97: {  	s31 =	simm.s32 $0x1480;
	[sflag:s22] =	ssyncadd.s32 $0xFFFFC000  }
0x98: {  	[spmem:s1] =	stream.indirect.scatter.add.f32 [tilespmem:s20], [sflag:$0x3], $0x80, s31, s19, $0xb8;
	[tilespmem:$0x1E800] =	vst v63  }
0x99: {  	_ =	swait.ge [sflag:s17], $0x4000  }
0x9a: {  	s26 =	simm.s32 $0x100;
	s28 =	simm.s32 $0x800;
	[sflag:s17] =	ssyncset.done $0x0  }
.LBB2_6:
0x9b: {  	s29 =	sadd.s32 $0x80, s26  }
0x9c: {  	[sflag:s17] =	ssyncadd.s32 $0xFFFFC000;
	s30 =	smov.u32 s28;
	s31 =	sadd.s32 $0x400, s28  }
0x9d: {  	[tilespmem:s20], [sflag:$0x2] =	stream.indirect.gather [hbm4b:s4+s19], $0x80, s29, s19, $0xb8;
	[tilespmem:$0x1E800] =	vst v63  }
0x9e: {  	p0 =	sne.s32 s28, $0x4800;
	_ =	swait.ge [sflag:s21], $0x4000  }
0x9f: {  	[sflag:s21] =	ssyncset.done $0x0  }
0xa0: {  	s28 =	sadd.s32 $0x1400, s26;
	[sflag:s21] =	ssyncadd.s32 $0xFFFFC000  }
0xa1: {  	[spmem:s1] =	stream.indirect.scatter.add.f32 [tilespmem:s16], [sflag:$0x3], $0x80, s28, s19, $0xb8;
	[tilespmem:$0x1E800] =	vst v63  }
0xa2: {  	_ =	swait.ge [sflag:s17], $0x4000  }
0xa3: {  	[sflag:s17] =	ssyncset.done $0x0  }
0xa4: {  	s28 =	sadd.s32 $0x100, s26;
	[sflag:s17] =	ssyncadd.s32 $0xFFFFC000  }
0xa5: {  	[tilespmem:s16], [sflag:$0x1] =	stream.indirect.gather [hbm4b:s4+s19], $0x80, s28, s19, $0xb8;
	[tilespmem:$0x1E800] =	vst v63  }
0xa6: {  	_ =	swait.ge [sflag:s22], $0x4000  }
.Ltmp2:
0xa7: {  	[sflag:s22] =	ssyncset.done $0x0;
	(pc) =	sbr.rel @p0 .LBB2_6-.Ltmp2, $4  }
0xa8: {  	s26 =	sadd.s32 $0x1480, s26;
	[sflag:s22] =	ssyncadd.s32 $0xFFFFC000  }
0xa9: {  	[spmem:s1] =	stream.indirect.scatter.add.f32 [tilespmem:s20], [sflag:$0x3], $0x80, s26, s19, $0xb8;
	[tilespmem:$0x1E800] =	vst v63  }
0xaa: {  	_ =	swait.ge [sflag:s17], $0x4000  }
0xab: {  	s28 =	smov.u32 s31;
	s26 =	sshra.s32 s30, $0x2;
	[sflag:s17] =	ssyncset.done $0x0  }
0xac: {  	s28 =	sadd.s32 $0x80, s26;
	[sflag:s17] =	ssyncadd.s32 $0xFFFFC000  }
0xad: {  	[tilespmem:s20], [sflag:$0x2] =	stream.indirect.gather [hbm4b:s4+s19], $0x80, s28, s19, $0xb8;
	[tilespmem:$0x1E800] =	vst v63  }
0xae: {  	_ =	swait.ge [sflag:s21], $0x4000  }
0xaf: {  	[sflag:s21] =	ssyncset.done $0x0  }
0xb0: {  	s30 =	sadd.s32 $0x1400, s26;
	[sflag:s21] =	ssyncadd.s32 $0xFFFFC000  }
0xb1: {  	[spmem:s1] =	stream.indirect.scatter.add.f32 [tilespmem:s16], [sflag:$0x3], $0x80, s30, s19, $0xb8;
	[tilespmem:$0x1E800] =	vst v63  }
0xb2: {  	_ =	swait.ge [sflag:s17], $0x4000  }
0xb3: {  	[sflag:s17] =	ssyncset.done $0x0  }
0xb4: {  	s31 =	sadd.s32 $0x100, s26;
	[sflag:s17] =	ssyncadd.s32 $0xFFFFC000  }
0xb5: {  	[tilespmem:s16], [sflag:$0x1] =	stream.indirect.gather [hbm4b:s4+s19], $0x80, s31, s19, $0xb8;
	[tilespmem:$0x1E800] =	vst v63  }
0xb6: {  	_ =	swait.ge [sflag:s22], $0x4000  }
0xb7: {  	[sflag:s22] =	ssyncset.done $0x0  }
0xb8: {  	s29 =	sadd.s32 $0x1480, s26;
	[sflag:s22] =	ssyncadd.s32 $0xFFFFC000  }
0xb9: {  	[spmem:s1] =	stream.indirect.scatter.add.f32 [tilespmem:s20], [sflag:$0x3], $0x80, s29, s19, $0xb8;
	[tilespmem:$0x1E800] =	vst v63  }
0xba: {  	_ =	swait.ge [sflag:s17], $0x4000  }
0xbb: {  	[sflag:s17] =	ssyncset.done $0x0  }
0xbc: {  	[sflag:s17] =	ssyncadd.s32 $0xFFFFC000  }
0xbd: {  	[tilespmem:s20], [sflag:$0x2] =	stream.indirect.gather [hbm4b:s4+s19], $0x80, s23, s19, $0xb8;
	[tilespmem:$0x1E800] =	vst v63  }
0xbe: {  	_ =	swait.ge [sflag:s21], $0x4000  }
0xbf: {  	[sflag:s21] =	ssyncset.done $0x0  }
0xc0: {  	[sflag:s21] =	ssyncadd.s32 $0xFFFFC000  }
0xc1: {  	[spmem:s1] =	stream.indirect.scatter.add.f32 [tilespmem:s16], [sflag:$0x3], $0x80, s24, s19, $0xb8;
	[tilespmem:$0x1E800] =	vst v63  }
0xc2: {  	_ =	swait.ge [sflag:s17], $0x4000  }
0xc3: {  	[sflag:s17] =	ssyncset.done $0x0  }
0xc4: {  	[sflag:s17] =	ssyncadd.s32 $0xFFFFC000  }
0xc5: {  	_ =	swait.ge [sflag:s22], $0x4000  }
0xc6: {  	[sflag:s22] =	ssyncset.done $0x0  }
0xc7: {  	[sflag:s22] =	ssyncadd.s32 $0xFFFFC000  }
0xc8: {  	[spmem:s1] =	stream.indirect.scatter.add.f32 [tilespmem:s20], [sflag:$0x3], $0x80, s25, s19, $0xb8;
	[tilespmem:$0x1E800] =	vst v63  }
0xc9: {  	_ =	swait.ge [sflag:s17], $0x4000  }
0xca: {  	s3 =	sadd.s32 $0x1, s3;
	s30 =	sshll.u32 s2, $0x6;
	[sflag:s17] =	ssyncset.done $0x0  }
0xcb: {  	p0 =	sne.s32 s3, s15;
	s26 =	sor.u32 $0x1C03, s30;
	[sflag:s17] =	ssyncadd.s32 $0xFFFFC000  }
.Ltmp3:
0xcc: {  	s31 =	sshrl.u32 s5, $0x3;
	[bflag:$0x0] =	sbarrier.arrive $0xFFFF;
	(pc) =	sbr.rel @p0 .LBB2_1-.Ltmp3, $4  }
0xcd: {  	[hbm:s14], [sflag:s26] =	dma.local [spmem:s31], $0x2800  }
0xce: {  	_ =	swait.ge [sflag:s17], $0x2800  }
0xcf: {  	[sflag:s17] =	ssyncset.done $0x0  }
0xd0: {  	[sflag:s17] =	ssyncadd.s32 $0xFFFFD800  }
0xd1: {  	_ =	sfence.sel $0x180000  }
0xd2: {  	[bflag:$0x0] =	sbarrier.arrive $0xFFFF  }
0xd3: {  	p0 =	sne.s32 s2, $0x0;
	_ =	strace $0x9000004A  }
0xd4: {  	s0 =	sadd.s32 @!p0 $0x100000, s0;
	[bflag:$0x2] =	sbarrier.arrive $0xFFFF  }
0xd5: {  	[sflag:s0] =	ssyncadd.tile.s32 @!p0 $0x1;
	_ =	shalt  }
.Lfunc_end2:
_tile_overlayer_lowered:
.L_overlay_start_2:
0xd6: {  	(tag) =	ssettag $0x2  }
0xd7: {  	s0 =	rddreg [dreg:$0x0];
	s2 =	stileid.u32  }
0xd8: {  	s1 =	rddreg [dreg:$0x1];
	p0 =	sne.s32 s2, $0x0  }
0xd9: {  	s3 =	rddreg [dreg:$0x2];
	[bflag:$0x3] =	sbarrier.arrive $0xFFFF;
	s2 =	simm.s32 @!p0 $0x1C03  }
0xda: {  	[timem:s3], [sflag:s2] =	dma.local @!p0 [hbm:s0], s1  }
0xdb: {  	s0 =	simm.s32 @!p0 $0x3  }
0xdc: {  	_ =	swait.ge @!p0 [sflag:s0], s1  }
0xdd: {  	s1 =	ssub.s32 @!p0 $0x0, s1;
	[sflag:s0] =	ssyncset.done @!p0 $0x0  }
0xde: {  	[sflag:s0] =	ssyncadd.s32 @!p0 s1  }
0xdf: {  	[bflag:$0x3] =	sbarrier.arrive $0xFFFF  }
0xe0: {  	_ =	shalt  }

</sc_bundles>
